<compile_context>
chip_gen: v7x
topology: tpu7x:2x2x1
jax: 0.10.2.dev20260603
libtpu: 0.0.44.dev20260713+nightly
codegen_flags: <defaults>
</compile_context>

<pallas_src>
import jax
import jax.numpy as jnp
from jax import lax
from jax.experimental import pallas as pl
from jax.experimental.pallas import tpu as pltpu
from jax.experimental.pallas import tpu_sc as plsc

B, S, D = 4, 4096, 2048
NW = 32
W_PER_B = NW // B
S_PER_W = S // W_PER_B
CHUNK = 8
NCHUNK = S_PER_W // CHUNK
NBUF = 4
NGRP = NCHUNK // NBUF


def _gather_body(tokens_hbm, table_hbm, out_hbm, idx_v, bufs, gsems, osems):
    wid = lax.axis_index("s") * 2 + lax.axis_index("c")
    b_row = lax.rem(wid, B)
    s0 = lax.div(wid, B) * S_PER_W
    pltpu.sync_copy(tokens_hbm.at[b_row, pl.ds(s0, S_PER_W)], idx_v)

    def gather(c, b):
        pltpu.async_copy(
            table_hbm.at[idx_v.at[pl.ds(c * CHUNK, CHUNK)]],
            bufs[b], gsems[b])

    def wait_gather(b):
        pltpu.make_async_copy(table_hbm.at[idx_v.at[pl.ds(0, CHUNK)]],
                              bufs[b], gsems[b]).wait()

    def writeout(c, b):
        pltpu.async_copy(bufs[b], out_hbm.at[pl.ds(s0 + c * CHUNK, CHUNK),
                                             b_row], osems[b])

    def wait_writeout(b):
        pltpu.make_async_copy(bufs[b], out_hbm.at[pl.ds(s0, CHUNK), b_row],
                              osems[b]).wait()

    for b in range(NBUF):
        gather(b, b)

    def step(g, _):
        for b in range(NBUF):
            c = g * NBUF + b
            wait_gather(b)
            writeout(c, b)

            @pl.when(c + NBUF < NCHUNK)
            def _():
                wait_writeout(b)
                gather(c + NBUF, b)
        return 0

    lax.fori_loop(0, NGRP, step, 0)
    for b in range(NBUF):
        wait_writeout(b)


@jax.jit
def _embed_gather(tokens, embed_table):
    mesh = plsc.VectorSubcoreMesh(core_axis_name="c", subcore_axis_name="s")
    return pl.kernel(
        _gather_body,
        out_type=jax.ShapeDtypeStruct((S, B, D), jnp.float32),
        mesh=mesh,
        scratch_types=[
            pltpu.VMEM((S_PER_W,), jnp.int32),
            [pltpu.VMEM((CHUNK, D), jnp.float32) for _ in range(NBUF)],
            [pltpu.SemaphoreType.DMA for _ in range(NBUF)],
            [pltpu.SemaphoreType.DMA for _ in range(NBUF)],
        ],
    )(tokens, embed_table)


def kernel(tokens, embed_table):
    return _embed_gather(tokens.astype(jnp.int32), embed_table)

# --- scband reference (transcript-rebuilt; emitter-appended) ---
"""Pipeline reference for scband-llama-embeddings-41506563948725 (READ-ONLY COPY).

The authoritative reference and input builder live on the scoring server;
editing this copy changes nothing except your own understanding.
"""

import jax, jax.numpy as jnp
import numpy as np

def setup_inputs(seed: int = 0) -> dict:
    key = jax.random.key(seed)
    k1, k2 = jax.random.split(key)
    tokens = jax.random.randint(k1, (4, 4096), 0, 32000, dtype=jnp.int64)
    embed_table = jax.random.normal(k2, (32000, 2048), dtype=jnp.float32) * 0.02
    return {"tokens": tokens, "embed_table": embed_table}

def reference(tokens, embed_table):
    # hidden_states = self.embed_tokens(tokens)  -> embedding lookup
    hidden_states = jnp.take(embed_table, tokens, axis=0)  # [B, S, D]
    # hidden_states = hidden_states.transpose(0, 1).contiguous()  -> [S, B, D]
    hidden_states = jnp.transpose(hidden_states, (1, 0, 2))
    return hidden_states

if __name__ == "__main__":
    import jax
    _d = setup_inputs()
    print(jax.jit(kernel)(*tuple(_d.values())))

</pallas_src>

<mosaic_0001>
#map = affine_map<(d0, d1) -> (0, 0)>
#map1 = affine_map<(d0, d1) -> (0, 0, 0)>
module attributes {stable_mosaic.version = 14 : i64} {
  func.func @_gather_body(%arg0: i32, %arg1: i32, %arg2: memref<4x4096xi32, #tpu.memory_space<hbm>>, %arg3: memref<32000x2048xf32, #tpu.memory_space<hbm>>, %arg4: memref<4096x4x2048xf32, #tpu.memory_space<hbm>>, %arg5: memref<512xi32, #tpu.memory_space<vmem>>, %arg6: memref<8x2048xf32, #tpu.memory_space<vmem>>, %arg7: memref<8x2048xf32, #tpu.memory_space<vmem>>, %arg8: memref<8x2048xf32, #tpu.memory_space<vmem>>, %arg9: memref<8x2048xf32, #tpu.memory_space<vmem>>, %arg10: memref<!tpu.dma_semaphore, #tpu.memory_space<semaphore_mem>>, %arg11: memref<!tpu.dma_semaphore, #tpu.memory_space<semaphore_mem>>, %arg12: memref<!tpu.dma_semaphore, #tpu.memory_space<semaphore_mem>>, %arg13: memref<!tpu.dma_semaphore, #tpu.memory_space<semaphore_mem>>, %arg14: memref<!tpu.dma_semaphore, #tpu.memory_space<semaphore_mem>>, %arg15: memref<!tpu.dma_semaphore, #tpu.memory_space<semaphore_mem>>, %arg16: memref<!tpu.dma_semaphore, #tpu.memory_space<semaphore_mem>>, %arg17: memref<!tpu.dma_semaphore, #tpu.memory_space<semaphore_mem>>) attributes {dimension_semantics = [#tpu.dimension_semantics<core_parallel>, #tpu.dimension_semantics<subcore_parallel>], iteration_bounds = array<i64: 2, 16>, scalar_prefetch = 0 : i64, scratch_operands = 13 : i64, tpu.core_type = #tpu.core_type<sc_vector_subcore>, window_params = [{transform_indices = #map}, {transform_indices = #map}, {transform_indices = #map1}]} {
    %mul3A = arith.constant 2 : i32
    %mul3A_0 = arith.muli %arg1, %mul3A : i32
    %add3A = arith.addi %mul3A_0, %arg0 : i32
    %rem3A = arith.constant 4 : i32
    %rem3A_1 = arith.remsi %add3A, %rem3A : i32
    %div3A = arith.constant 4 : i32
    %div3A_2 = arith.divsi %add3A, %div3A : i32
    %mul3A_3 = arith.constant 512 : i32
    %mul3A_4 = arith.muli %div3A_2, %mul3A_3 : i32
    "tpu.region"() ({
      %run_scoped3A = tpu.sem_alloc : memref<!tpu.dma_semaphore, #tpu.memory_space<semaphore_mem>>
      %dma_start3A_53 = tpu.memref_slice %arg2[%rem3A_1, %mul3A_4] : memref<4x4096xi32, #tpu.memory_space<hbm>> -> memref<1x512xi32, #tpu.memory_space<hbm>>
      %dma_start3A_54 = tpu.memref_squeeze %dma_start3A_53 : memref<1x512xi32, #tpu.memory_space<hbm>> -> memref<512xi32, #tpu.memory_space<hbm>>
      %dma_start3A_55 = tpu.memref_slice %arg2[%rem3A_1, %mul3A_4] : memref<4x4096xi32, #tpu.memory_space<hbm>> -> memref<1x512xi32, #tpu.memory_space<hbm>>
      %dma_start3A_56 = tpu.memref_squeeze %dma_start3A_55 : memref<1x512xi32, #tpu.memory_space<hbm>> -> memref<512xi32, #tpu.memory_space<hbm>>
      tpu.enqueue_dma source(%dma_start3A_56 : memref<512xi32, #tpu.memory_space<hbm>>) target(%arg5 : memref<512xi32, #tpu.memory_space<vmem>>) target_semaphore(%run_scoped3A : memref<!tpu.dma_semaphore, #tpu.memory_space<semaphore_mem>>)
      %dma_wait3A_57 = tpu.memref_slice %arg2[%rem3A_1, %mul3A_4] : memref<4x4096xi32, #tpu.memory_space<hbm>> -> memref<1x512xi32, #tpu.memory_space<hbm>>
      %dma_wait3A_58 = tpu.memref_squeeze %dma_wait3A_57 : memref<1x512xi32, #tpu.memory_space<hbm>> -> memref<512xi32, #tpu.memory_space<hbm>>
      %dma_wait3A_59 = tpu.memref_slice %arg2[%rem3A_1, %mul3A_4] : memref<4x4096xi32, #tpu.memory_space<hbm>> -> memref<1x512xi32, #tpu.memory_space<hbm>>
      %dma_wait3A_60 = tpu.memref_squeeze %dma_wait3A_59 : memref<1x512xi32, #tpu.memory_space<hbm>> -> memref<512xi32, #tpu.memory_space<hbm>>
      tpu.wait_dma2 semaphore(%run_scoped3A : memref<!tpu.dma_semaphore, #tpu.memory_space<semaphore_mem>>) src(%dma_wait3A_60 : memref<512xi32, #tpu.memory_space<hbm>>) dst(%arg5 : memref<512xi32, #tpu.memory_space<vmem>>)
      tpu.yield
    }) : () -> ()
    %dma_start3A = arith.constant 0 : i32
    %dma_start3A_5 = tpu.memref_slice %arg5[%dma_start3A] : memref<512xi32, #tpu.memory_space<vmem>> -> memref<8xi32, #tpu.memory_space<vmem>>
    %dma_start3A_6 = arith.constant 0 : i32
    %dma_start3A_7 = arith.constant 0 : i32
    %dma_start3A_8 = tpu.memref_slice %arg3[%dma_start3A_6, %dma_start3A_7] : memref<32000x2048xf32, #tpu.memory_space<hbm>> -> memref<32000x2048xf32, #tpu.memory_space<hbm>>
    tpu.enqueue_indirect_dma source(%dma_start3A_8 : memref<32000x2048xf32, #tpu.memory_space<hbm>>) target(%arg6 : memref<8x2048xf32, #tpu.memory_space<vmem>>) offsets(%dma_start3A_5 : memref<8xi32, #tpu.memory_space<vmem>>) semaphore(%arg10 : memref<!tpu.dma_semaphore, #tpu.memory_space<semaphore_mem>>)
    %dma_start3A_9 = arith.constant 8 : i32
    %dma_start3A_10 = tpu.memref_slice %arg5[%dma_start3A_9] : memref<512xi32, #tpu.memory_space<vmem>> -> memref<8xi32, #tpu.memory_space<vmem>>
    %dma_start3A_11 = arith.constant 0 : i32
    %dma_start3A_12 = arith.constant 0 : i32
    %dma_start3A_13 = tpu.memref_slice %arg3[%dma_start3A_11, %dma_start3A_12] : memref<32000x2048xf32, #tpu.memory_space<hbm>> -> memref<32000x2048xf32, #tpu.memory_space<hbm>>
    tpu.enqueue_indirect_dma source(%dma_start3A_13 : memref<32000x2048xf32, #tpu.memory_space<hbm>>) target(%arg7 : memref<8x2048xf32, #tpu.memory_space<vmem>>) offsets(%dma_start3A_10 : memref<8xi32, #tpu.memory_space<vmem>>) semaphore(%arg11 : memref<!tpu.dma_semaphore, #tpu.memory_space<semaphore_mem>>)
    %dma_start3A_14 = arith.constant 16 : i32
    %dma_start3A_15 = tpu.memref_slice %arg5[%dma_start3A_14] : memref<512xi32, #tpu.memory_space<vmem>> -> memref<8xi32, #tpu.memory_space<vmem>>
    %dma_start3A_16 = arith.constant 0 : i32
    %dma_start3A_17 = arith.constant 0 : i32
    %dma_start3A_18 = tpu.memref_slice %arg3[%dma_start3A_16, %dma_start3A_17] : memref<32000x2048xf32, #tpu.memory_space<hbm>> -> memref<32000x2048xf32, #tpu.memory_space<hbm>>
    tpu.enqueue_indirect_dma source(%dma_start3A_18 : memref<32000x2048xf32, #tpu.memory_space<hbm>>) target(%arg8 : memref<8x2048xf32, #tpu.memory_space<vmem>>) offsets(%dma_start3A_15 : memref<8xi32, #tpu.memory_space<vmem>>) semaphore(%arg12 : memref<!tpu.dma_semaphore, #tpu.memory_space<semaphore_mem>>)
    %dma_start3A_19 = arith.constant 24 : i32
    %dma_start3A_20 = tpu.memref_slice %arg5[%dma_start3A_19] : memref<512xi32, #tpu.memory_space<vmem>> -> memref<8xi32, #tpu.memory_space<vmem>>
    %dma_start3A_21 = arith.constant 0 : i32
    %dma_start3A_22 = arith.constant 0 : i32
    %dma_start3A_23 = tpu.memref_slice %arg3[%dma_start3A_21, %dma_start3A_22] : memref<32000x2048xf32, #tpu.memory_space<hbm>> -> memref<32000x2048xf32, #tpu.memory_space<hbm>>
    tpu.enqueue_indirect_dma source(%dma_start3A_23 : memref<32000x2048xf32, #tpu.memory_space<hbm>>) target(%arg9 : memref<8x2048xf32, #tpu.memory_space<vmem>>) offsets(%dma_start3A_20 : memref<8xi32, #tpu.memory_space<vmem>>) semaphore(%arg13 : memref<!tpu.dma_semaphore, #tpu.memory_space<semaphore_mem>>)
    %scan3A = arith.constant 0 : i32
    %scan3A_24 = arith.constant 0 : i32
    %scan3A_25 = arith.constant 16 : i32
    %scan3A_26 = arith.addi %scan3A_24, %scan3A_25 : i32
    %scan3A_27 = arith.constant 1 : i32
    %scan3A_28 = scf.for %scan3A_53 = %scan3A_24 to %scan3A_26 step %scan3A_27 iter_args(%scan3A_54 = %scan3A) -> (i32)  : i32 {
      %mul3A_55 = arith.constant 4 : i32
      %mul3A_56 = arith.muli %scan3A_53, %mul3A_55 : i32
      %add3A_57 = arith.constant 0 : i32
      %add3A_58 = arith.addi %mul3A_56, %add3A_57 : i32
      %dma_wait3A_59 = arith.constant 0 : i32
      %dma_wait3A_60 = tpu.memref_slice %arg5[%dma_wait3A_59] : memref<512xi32, #tpu.memory_space<vmem>> -> memref<8xi32, #tpu.memory_space<vmem>>
      %dma_wait3A_61 = arith.constant 0 : i32
      %dma_wait3A_62 = arith.constant 0 : i32
      %dma_wait3A_63 = tpu.memref_slice %arg3[%dma_wait3A_61, %dma_wait3A_62] : memref<32000x2048xf32, #tpu.memory_space<hbm>> -> memref<32000x2048xf32, #tpu.memory_space<hbm>>
      tpu.wait_indirect_dma semaphore(%arg10 : memref<!tpu.dma_semaphore, #tpu.memory_space<semaphore_mem>>) src(%dma_wait3A_63 : memref<32000x2048xf32, #tpu.memory_space<hbm>>) dst(%arg6 : memref<8x2048xf32, #tpu.memory_space<vmem>>)
      %mul3A_64 = arith.constant 8 : i32
      %mul3A_65 = arith.muli %add3A_58, %mul3A_64 : i32
      %add3A_66 = arith.addi %mul3A_4, %mul3A_65 : i32
      %dma_start3A_67 = arith.constant 0 : i32
      %dma_start3A_68 = tpu.memref_slice %arg4[%add3A_66, %rem3A_1, %dma_start3A_67] : memref<4096x4x2048xf32, #tpu.memory_space<hbm>> -> memref<8x1x2048xf32, #tpu.memory_space<hbm>>
      %dma_start3A_69 = tpu.memref_squeeze %dma_start3A_68 : memref<8x1x2048xf32, #tpu.memory_space<hbm>> -> memref<8x2048xf32, #tpu.memory_space<hbm>>
      %dma_start3A_70 = arith.constant 0 : i32
      %dma_start3A_71 = tpu.memref_slice %arg4[%add3A_66, %rem3A_1, %dma_start3A_70] : memref<4096x4x2048xf32, #tpu.memory_space<hbm>> -> memref<8x1x2048xf32, #tpu.memory_space<hbm>>
      %dma_start3A_72 = tpu.memref_squeeze %dma_start3A_71 : memref<8x1x2048xf32, #tpu.memory_space<hbm>> -> memref<8x2048xf32, #tpu.memory_space<hbm>>
      tpu.enqueue_dma source(%arg6 : memref<8x2048xf32, #tpu.memory_space<vmem>>) target(%dma_start3A_72 : memref<8x2048xf32, #tpu.memory_space<hbm>>) target_semaphore(%arg14 : memref<!tpu.dma_semaphore, #tpu.memory_space<semaphore_mem>>)
      %add3A_73 = arith.constant 4 : i32
      %add3A_74 = arith.addi %add3A_58, %add3A_73 : i32
      %lt3A = arith.constant 64 : i32
      %lt3A_75 = arith.cmpi slt, %add3A_74, %lt3A : i32
      %convert_element_type3A = arith.extui %lt3A_75 : i1 to i32
      %cond3A = arith.constant 0 : i32
      %cond3A_76 = arith.cmpi ne, %convert_element_type3A, %cond3A : i32
      scf.if %cond3A_76 {
        %dma_wait3A_153 = arith.constant 0 : i32
        %dma_wait3A_154 = tpu.memref_slice %arg4[%mul3A_4, %rem3A_1, %dma_wait3A_153] : memref<4096x4x2048xf32, #tpu.memory_space<hbm>> -> memref<8x1x2048xf32, #tpu.memory_space<hbm>>
        %dma_wait3A_155 = tpu.memref_squeeze %dma_wait3A_154 : memref<8x1x2048xf32, #tpu.memory_space<hbm>> -> memref<8x2048xf32, #tpu.memory_space<hbm>>
        %dma_wait3A_156 = arith.constant 0 : i32
        %dma_wait3A_157 = tpu.memref_slice %arg4[%mul3A_4, %rem3A_1, %dma_wait3A_156] : memref<4096x4x2048xf32, #tpu.memory_space<hbm>> -> memref<8x1x2048xf32, #tpu.memory_space<hbm>>
        %dma_wait3A_158 = tpu.memref_squeeze %dma_wait3A_157 : memref<8x1x2048xf32, #tpu.memory_space<hbm>> -> memref<8x2048xf32, #tpu.memory_space<hbm>>
        tpu.wait_dma2 semaphore(%arg14 : memref<!tpu.dma_semaphore, #tpu.memory_space<semaphore_mem>>) src(%arg6 : memref<8x2048xf32, #tpu.memory_space<vmem>>) dst(%dma_wait3A_158 : memref<8x2048xf32, #tpu.memory_space<hbm>>)
        %add3A_159 = arith.constant 4 : i32
        %add3A_160 = arith.addi %add3A_58, %add3A_159 : i32
        %mul3A_161 = arith.constant 8 : i32
        %mul3A_162 = arith.muli %add3A_160, %mul3A_161 : i32
        %dma_start3A_163 = tpu.memref_slice %arg5[%mul3A_162] : memref<512xi32, #tpu.memory_space<vmem>> -> memref<8xi32, #tpu.memory_space<vmem>>
        %dma_start3A_164 = arith.constant 0 : i32
        %dma_start3A_165 = arith.constant 0 : i32
        %dma_start3A_166 = tpu.memref_slice %arg3[%dma_start3A_164, %dma_start3A_165] : memref<32000x2048xf32, #tpu.memory_space<hbm>> -> memref<32000x2048xf32, #tpu.memory_space<hbm>>
        tpu.enqueue_indirect_dma source(%dma_start3A_166 : memref<32000x2048xf32, #tpu.memory_space<hbm>>) target(%arg6 : memref<8x2048xf32, #tpu.memory_space<vmem>>) offsets(%dma_start3A_163 : memref<8xi32, #tpu.memory_space<vmem>>) semaphore(%arg10 : memref<!tpu.dma_semaphore, #tpu.memory_space<semaphore_mem>>)
      } else {
      }
      %mul3A_77 = arith.constant 4 : i32
      %mul3A_78 = arith.muli %scan3A_53, %mul3A_77 : i32
      %add3A_79 = arith.constant 1 : i32
      %add3A_80 = arith.addi %mul3A_78, %add3A_79 : i32
      %dma_wait3A_81 = arith.constant 0 : i32
      %dma_wait3A_82 = tpu.memref_slice %arg5[%dma_wait3A_81] : memref<512xi32, #tpu.memory_space<vmem>> -> memref<8xi32, #tpu.memory_space<vmem>>
      %dma_wait3A_83 = arith.constant 0 : i32
      %dma_wait3A_84 = arith.constant 0 : i32
      %dma_wait3A_85 = tpu.memref_slice %arg3[%dma_wait3A_83, %dma_wait3A_84] : memref<32000x2048xf32, #tpu.memory_space<hbm>> -> memref<32000x2048xf32, #tpu.memory_space<hbm>>
      tpu.wait_indirect_dma semaphore(%arg11 : memref<!tpu.dma_semaphore, #tpu.memory_space<semaphore_mem>>) src(%dma_wait3A_85 : memref<32000x2048xf32, #tpu.memory_space<hbm>>) dst(%arg7 : memref<8x2048xf32, #tpu.memory_space<vmem>>)
      %mul3A_86 = arith.constant 8 : i32
      %mul3A_87 = arith.muli %add3A_80, %mul3A_86 : i32
      %add3A_88 = arith.addi %mul3A_4, %mul3A_87 : i32
      %dma_start3A_89 = arith.constant 0 : i32
      %dma_start3A_90 = tpu.memref_slice %arg4[%add3A_88, %rem3A_1, %dma_start3A_89] : memref<4096x4x2048xf32, #tpu.memory_space<hbm>> -> memref<8x1x2048xf32, #tpu.memory_space<hbm>>
      %dma_start3A_91 = tpu.memref_squeeze %dma_start3A_90 : memref<8x1x2048xf32, #tpu.memory_space<hbm>> -> memref<8x2048xf32, #tpu.memory_space<hbm>>
      %dma_start3A_92 = arith.constant 0 : i32
      %dma_start3A_93 = tpu.memref_slice %arg4[%add3A_88, %rem3A_1, %dma_start3A_92] : memref<4096x4x2048xf32, #tpu.memory_space<hbm>> -> memref<8x1x2048xf32, #tpu.memory_space<hbm>>
      %dma_start3A_94 = tpu.memref_squeeze %dma_start3A_93 : memref<8x1x2048xf32, #tpu.memory_space<hbm>> -> memref<8x2048xf32, #tpu.memory_space<hbm>>
      tpu.enqueue_dma source(%arg7 : memref<8x2048xf32, #tpu.memory_space<vmem>>) target(%dma_start3A_94 : memref<8x2048xf32, #tpu.memory_space<hbm>>) target_semaphore(%arg15 : memref<!tpu.dma_semaphore, #tpu.memory_space<semaphore_mem>>)
      %add3A_95 = arith.constant 4 : i32
      %add3A_96 = arith.addi %add3A_80, %add3A_95 : i32
      %lt3A_97 = arith.constant 64 : i32
      %lt3A_98 = arith.cmpi slt, %add3A_96, %lt3A_97 : i32
      %convert_element_type3A_99 = arith.extui %lt3A_98 : i1 to i32
      %cond3A_100 = arith.constant 0 : i32
      %cond3A_101 = arith.cmpi ne, %convert_element_type3A_99, %cond3A_100 : i32
      scf.if %cond3A_101 {
        %dma_wait3A_153 = arith.constant 0 : i32
        %dma_wait3A_154 = tpu.memref_slice %arg4[%mul3A_4, %rem3A_1, %dma_wait3A_153] : memref<4096x4x2048xf32, #tpu.memory_space<hbm>> -> memref<8x1x2048xf32, #tpu.memory_space<hbm>>
        %dma_wait3A_155 = tpu.memref_squeeze %dma_wait3A_154 : memref<8x1x2048xf32, #tpu.memory_space<hbm>> -> memref<8x2048xf32, #tpu.memory_space<hbm>>
        %dma_wait3A_156 = arith.constant 0 : i32
        %dma_wait3A_157 = tpu.memref_slice %arg4[%mul3A_4, %rem3A_1, %dma_wait3A_156] : memref<4096x4x2048xf32, #tpu.memory_space<hbm>> -> memref<8x1x2048xf32, #tpu.memory_space<hbm>>
        %dma_wait3A_158 = tpu.memref_squeeze %dma_wait3A_157 : memref<8x1x2048xf32, #tpu.memory_space<hbm>> -> memref<8x2048xf32, #tpu.memory_space<hbm>>
        tpu.wait_dma2 semaphore(%arg15 : memref<!tpu.dma_semaphore, #tpu.memory_space<semaphore_mem>>) src(%arg7 : memref<8x2048xf32, #tpu.memory_space<vmem>>) dst(%dma_wait3A_158 : memref<8x2048xf32, #tpu.memory_space<hbm>>)
        %add3A_159 = arith.constant 4 : i32
        %add3A_160 = arith.addi %add3A_80, %add3A_159 : i32
        %mul3A_161 = arith.constant 8 : i32
        %mul3A_162 = arith.muli %add3A_160, %mul3A_161 : i32
        %dma_start3A_163 = tpu.memref_slice %arg5[%mul3A_162] : memref<512xi32, #tpu.memory_space<vmem>> -> memref<8xi32, #tpu.memory_space<vmem>>
        %dma_start3A_164 = arith.constant 0 : i32
        %dma_start3A_165 = arith.constant 0 : i32
        %dma_start3A_166 = tpu.memref_slice %arg3[%dma_start3A_164, %dma_start3A_165] : memref<32000x2048xf32, #tpu.memory_space<hbm>> -> memref<32000x2048xf32, #tpu.memory_space<hbm>>
        tpu.enqueue_indirect_dma source(%dma_start3A_166 : memref<32000x2048xf32, #tpu.memory_space<hbm>>) target(%arg7 : memref<8x2048xf32, #tpu.memory_space<vmem>>) offsets(%dma_start3A_163 : memref<8xi32, #tpu.memory_space<vmem>>) semaphore(%arg11 : memref<!tpu.dma_semaphore, #tpu.memory_space<semaphore_mem>>)
      } else {
      }
      %mul3A_102 = arith.constant 4 : i32
      %mul3A_103 = arith.muli %scan3A_53, %mul3A_102 : i32
      %add3A_104 = arith.constant 2 : i32
      %add3A_105 = arith.addi %mul3A_103, %add3A_104 : i32
      %dma_wait3A_106 = arith.constant 0 : i32
      %dma_wait3A_107 = tpu.memref_slice %arg5[%dma_wait3A_106] : memref<512xi32, #tpu.memory_space<vmem>> -> memref<8xi32, #tpu.memory_space<vmem>>
      %dma_wait3A_108 = arith.constant 0 : i32
      %dma_wait3A_109 = arith.constant 0 : i32
      %dma_wait3A_110 = tpu.memref_slice %arg3[%dma_wait3A_108, %dma_wait3A_109] : memref<32000x2048xf32, #tpu.memory_space<hbm>> -> memref<32000x2048xf32, #tpu.memory_space<hbm>>
      tpu.wait_indirect_dma semaphore(%arg12 : memref<!tpu.dma_semaphore, #tpu.memory_space<semaphore_mem>>) src(%dma_wait3A_110 : memref<32000x2048xf32, #tpu.memory_space<hbm>>) dst(%arg8 : memref<8x2048xf32, #tpu.memory_space<vmem>>)
      %mul3A_111 = arith.constant 8 : i32
      %mul3A_112 = arith.muli %add3A_105, %mul3A_111 : i32
      %add3A_113 = arith.addi %mul3A_4, %mul3A_112 : i32
      %dma_start3A_114 = arith.constant 0 : i32
      %dma_start3A_115 = tpu.memref_slice %arg4[%add3A_113, %rem3A_1, %dma_start3A_114] : memref<4096x4x2048xf32, #tpu.memory_space<hbm>> -> memref<8x1x2048xf32, #tpu.memory_space<hbm>>
      %dma_start3A_116 = tpu.memref_squeeze %dma_start3A_115 : memref<8x1x2048xf32, #tpu.memory_space<hbm>> -> memref<8x2048xf32, #tpu.memory_space<hbm>>
      %dma_start3A_117 = arith.constant 0 : i32
      %dma_start3A_118 = tpu.memref_slice %arg4[%add3A_113, %rem3A_1, %dma_start3A_117] : memref<4096x4x2048xf32, #tpu.memory_space<hbm>> -> memref<8x1x2048xf32, #tpu.memory_space<hbm>>
      %dma_start3A_119 = tpu.memref_squeeze %dma_start3A_118 : memref<8x1x2048xf32, #tpu.memory_space<hbm>> -> memref<8x2048xf32, #tpu.memory_space<hbm>>
      tpu.enqueue_dma source(%arg8 : memref<8x2048xf32, #tpu.memory_space<vmem>>) target(%dma_start3A_119 : memref<8x2048xf32, #tpu.memory_space<hbm>>) target_semaphore(%arg16 : memref<!tpu.dma_semaphore, #tpu.memory_space<semaphore_mem>>)
      %add3A_120 = arith.constant 4 : i32
      %add3A_121 = arith.addi %add3A_105, %add3A_120 : i32
      %lt3A_122 = arith.constant 64 : i32
      %lt3A_123 = arith.cmpi slt, %add3A_121, %lt3A_122 : i32
      %convert_element_type3A_124 = arith.extui %lt3A_123 : i1 to i32
      %cond3A_125 = arith.constant 0 : i32
      %cond3A_126 = arith.cmpi ne, %convert_element_type3A_124, %cond3A_125 : i32
      scf.if %cond3A_126 {
        %dma_wait3A_153 = arith.constant 0 : i32
        %dma_wait3A_154 = tpu.memref_slice %arg4[%mul3A_4, %rem3A_1, %dma_wait3A_153] : memref<4096x4x2048xf32, #tpu.memory_space<hbm>> -> memref<8x1x2048xf32, #tpu.memory_space<hbm>>
        %dma_wait3A_155 = tpu.memref_squeeze %dma_wait3A_154 : memref<8x1x2048xf32, #tpu.memory_space<hbm>> -> memref<8x2048xf32, #tpu.memory_space<hbm>>
        %dma_wait3A_156 = arith.constant 0 : i32
        %dma_wait3A_157 = tpu.memref_slice %arg4[%mul3A_4, %rem3A_1, %dma_wait3A_156] : memref<4096x4x2048xf32, #tpu.memory_space<hbm>> -> memref<8x1x2048xf32, #tpu.memory_space<hbm>>
        %dma_wait3A_158 = tpu.memref_squeeze %dma_wait3A_157 : memref<8x1x2048xf32, #tpu.memory_space<hbm>> -> memref<8x2048xf32, #tpu.memory_space<hbm>>
        tpu.wait_dma2 semaphore(%arg16 : memref<!tpu.dma_semaphore, #tpu.memory_space<semaphore_mem>>) src(%arg8 : memref<8x2048xf32, #tpu.memory_space<vmem>>) dst(%dma_wait3A_158 : memref<8x2048xf32, #tpu.memory_space<hbm>>)
        %add3A_159 = arith.constant 4 : i32
        %add3A_160 = arith.addi %add3A_105, %add3A_159 : i32
        %mul3A_161 = arith.constant 8 : i32
        %mul3A_162 = arith.muli %add3A_160, %mul3A_161 : i32
        %dma_start3A_163 = tpu.memref_slice %arg5[%mul3A_162] : memref<512xi32, #tpu.memory_space<vmem>> -> memref<8xi32, #tpu.memory_space<vmem>>
        %dma_start3A_164 = arith.constant 0 : i32
        %dma_start3A_165 = arith.constant 0 : i32
        %dma_start3A_166 = tpu.memref_slice %arg3[%dma_start3A_164, %dma_start3A_165] : memref<32000x2048xf32, #tpu.memory_space<hbm>> -> memref<32000x2048xf32, #tpu.memory_space<hbm>>
        tpu.enqueue_indirect_dma source(%dma_start3A_166 : memref<32000x2048xf32, #tpu.memory_space<hbm>>) target(%arg8 : memref<8x2048xf32, #tpu.memory_space<vmem>>) offsets(%dma_start3A_163 : memref<8xi32, #tpu.memory_space<vmem>>) semaphore(%arg12 : memref<!tpu.dma_semaphore, #tpu.memory_space<semaphore_mem>>)
      } else {
      }
      %mul3A_127 = arith.constant 4 : i32
      %mul3A_128 = arith.muli %scan3A_53, %mul3A_127 : i32
      %add3A_129 = arith.constant 3 : i32
      %add3A_130 = arith.addi %mul3A_128, %add3A_129 : i32
      %dma_wait3A_131 = arith.constant 0 : i32
      %dma_wait3A_132 = tpu.memref_slice %arg5[%dma_wait3A_131] : memref<512xi32, #tpu.memory_space<vmem>> -> memref<8xi32, #tpu.memory_space<vmem>>
      %dma_wait3A_133 = arith.constant 0 : i32
      %dma_wait3A_134 = arith.constant 0 : i32
      %dma_wait3A_135 = tpu.memref_slice %arg3[%dma_wait3A_133, %dma_wait3A_134] : memref<32000x2048xf32, #tpu.memory_space<hbm>> -> memref<32000x2048xf32, #tpu.memory_space<hbm>>
      tpu.wait_indirect_dma semaphore(%arg13 : memref<!tpu.dma_semaphore, #tpu.memory_space<semaphore_mem>>) src(%dma_wait3A_135 : memref<32000x2048xf32, #tpu.memory_space<hbm>>) dst(%arg9 : memref<8x2048xf32, #tpu.memory_space<vmem>>)
      %mul3A_136 = arith.constant 8 : i32
      %mul3A_137 = arith.muli %add3A_130, %mul3A_136 : i32
      %add3A_138 = arith.addi %mul3A_4, %mul3A_137 : i32
      %dma_start3A_139 = arith.constant 0 : i32
      %dma_start3A_140 = tpu.memref_slice %arg4[%add3A_138, %rem3A_1, %dma_start3A_139] : memref<4096x4x2048xf32, #tpu.memory_space<hbm>> -> memref<8x1x2048xf32, #tpu.memory_space<hbm>>
      %dma_start3A_141 = tpu.memref_squeeze %dma_start3A_140 : memref<8x1x2048xf32, #tpu.memory_space<hbm>> -> memref<8x2048xf32, #tpu.memory_space<hbm>>
      %dma_start3A_142 = arith.constant 0 : i32
      %dma_start3A_143 = tpu.memref_slice %arg4[%add3A_138, %rem3A_1, %dma_start3A_142] : memref<4096x4x2048xf32, #tpu.memory_space<hbm>> -> memref<8x1x2048xf32, #tpu.memory_space<hbm>>
      %dma_start3A_144 = tpu.memref_squeeze %dma_start3A_143 : memref<8x1x2048xf32, #tpu.memory_space<hbm>> -> memref<8x2048xf32, #tpu.memory_space<hbm>>
      tpu.enqueue_dma source(%arg9 : memref<8x2048xf32, #tpu.memory_space<vmem>>) target(%dma_start3A_144 : memref<8x2048xf32, #tpu.memory_space<hbm>>) target_semaphore(%arg17 : memref<!tpu.dma_semaphore, #tpu.memory_space<semaphore_mem>>)
      %add3A_145 = arith.constant 4 : i32
      %add3A_146 = arith.addi %add3A_130, %add3A_145 : i32
      %lt3A_147 = arith.constant 64 : i32
      %lt3A_148 = arith.cmpi slt, %add3A_146, %lt3A_147 : i32
      %convert_element_type3A_149 = arith.extui %lt3A_148 : i1 to i32
      %cond3A_150 = arith.constant 0 : i32
      %cond3A_151 = arith.cmpi ne, %convert_element_type3A_149, %cond3A_150 : i32
      scf.if %cond3A_151 {
        %dma_wait3A_153 = arith.constant 0 : i32
        %dma_wait3A_154 = tpu.memref_slice %arg4[%mul3A_4, %rem3A_1, %dma_wait3A_153] : memref<4096x4x2048xf32, #tpu.memory_space<hbm>> -> memref<8x1x2048xf32, #tpu.memory_space<hbm>>
        %dma_wait3A_155 = tpu.memref_squeeze %dma_wait3A_154 : memref<8x1x2048xf32, #tpu.memory_space<hbm>> -> memref<8x2048xf32, #tpu.memory_space<hbm>>
        %dma_wait3A_156 = arith.constant 0 : i32
        %dma_wait3A_157 = tpu.memref_slice %arg4[%mul3A_4, %rem3A_1, %dma_wait3A_156] : memref<4096x4x2048xf32, #tpu.memory_space<hbm>> -> memref<8x1x2048xf32, #tpu.memory_space<hbm>>
        %dma_wait3A_158 = tpu.memref_squeeze %dma_wait3A_157 : memref<8x1x2048xf32, #tpu.memory_space<hbm>> -> memref<8x2048xf32, #tpu.memory_space<hbm>>
        tpu.wait_dma2 semaphore(%arg17 : memref<!tpu.dma_semaphore, #tpu.memory_space<semaphore_mem>>) src(%arg9 : memref<8x2048xf32, #tpu.memory_space<vmem>>) dst(%dma_wait3A_158 : memref<8x2048xf32, #tpu.memory_space<hbm>>)
        %add3A_159 = arith.constant 4 : i32
        %add3A_160 = arith.addi %add3A_130, %add3A_159 : i32
        %mul3A_161 = arith.constant 8 : i32
        %mul3A_162 = arith.muli %add3A_160, %mul3A_161 : i32
        %dma_start3A_163 = tpu.memref_slice %arg5[%mul3A_162] : memref<512xi32, #tpu.memory_space<vmem>> -> memref<8xi32, #tpu.memory_space<vmem>>
        %dma_start3A_164 = arith.constant 0 : i32
        %dma_start3A_165 = arith.constant 0 : i32
        %dma_start3A_166 = tpu.memref_slice %arg3[%dma_start3A_164, %dma_start3A_165] : memref<32000x2048xf32, #tpu.memory_space<hbm>> -> memref<32000x2048xf32, #tpu.memory_space<hbm>>
        tpu.enqueue_indirect_dma source(%dma_start3A_166 : memref<32000x2048xf32, #tpu.memory_space<hbm>>) target(%arg9 : memref<8x2048xf32, #tpu.memory_space<vmem>>) offsets(%dma_start3A_163 : memref<8xi32, #tpu.memory_space<vmem>>) semaphore(%arg13 : memref<!tpu.dma_semaphore, #tpu.memory_space<semaphore_mem>>)
      } else {
      }
      %scan3A_152 = arith.constant 0 : i32
      scf.yield %scan3A_152 : i32
    }
    %scan3A_29 = arith.constant 16 : i32
    %dma_wait3A = arith.constant 0 : i32
    %dma_wait3A_30 = tpu.memref_slice %arg4[%mul3A_4, %rem3A_1, %dma_wait3A] : memref<4096x4x2048xf32, #tpu.memory_space<hbm>> -> memref<8x1x2048xf32, #tpu.memory_space<hbm>>
    %dma_wait3A_31 = tpu.memref_squeeze %dma_wait3A_30 : memref<8x1x2048xf32, #tpu.memory_space<hbm>> -> memref<8x2048xf32, #tpu.memory_space<hbm>>
    %dma_wait3A_32 = arith.constant 0 : i32
    %dma_wait3A_33 = tpu.memref_slice %arg4[%mul3A_4, %rem3A_1, %dma_wait3A_32] : memref<4096x4x2048xf32, #tpu.memory_space<hbm>> -> memref<8x1x2048xf32, #tpu.memory_space<hbm>>
    %dma_wait3A_34 = tpu.memref_squeeze %dma_wait3A_33 : memref<8x1x2048xf32, #tpu.memory_space<hbm>> -> memref<8x2048xf32, #tpu.memory_space<hbm>>
    tpu.wait_dma2 semaphore(%arg14 : memref<!tpu.dma_semaphore, #tpu.memory_space<semaphore_mem>>) src(%arg6 : memref<8x2048xf32, #tpu.memory_space<vmem>>) dst(%dma_wait3A_34 : memref<8x2048xf32, #tpu.memory_space<hbm>>)
    %dma_wait3A_35 = arith.constant 0 : i32
    %dma_wait3A_36 = tpu.memref_slice %arg4[%mul3A_4, %rem3A_1, %dma_wait3A_35] : memref<4096x4x2048xf32, #tpu.memory_space<hbm>> -> memref<8x1x2048xf32, #tpu.memory_space<hbm>>
    %dma_wait3A_37 = tpu.memref_squeeze %dma_wait3A_36 : memref<8x1x2048xf32, #tpu.memory_space<hbm>> -> memref<8x2048xf32, #tpu.memory_space<hbm>>
    %dma_wait3A_38 = arith.constant 0 : i32
    %dma_wait3A_39 = tpu.memref_slice %arg4[%mul3A_4, %rem3A_1, %dma_wait3A_38] : memref<4096x4x2048xf32, #tpu.memory_space<hbm>> -> memref<8x1x2048xf32, #tpu.memory_space<hbm>>
    %dma_wait3A_40 = tpu.memref_squeeze %dma_wait3A_39 : memref<8x1x2048xf32, #tpu.memory_space<hbm>> -> memref<8x2048xf32, #tpu.memory_space<hbm>>
    tpu.wait_dma2 semaphore(%arg15 : memref<!tpu.dma_semaphore, #tpu.memory_space<semaphore_mem>>) src(%arg7 : memref<8x2048xf32, #tpu.memory_space<vmem>>) dst(%dma_wait3A_40 : memref<8x2048xf32, #tpu.memory_space<hbm>>)
    %dma_wait3A_41 = arith.constant 0 : i32
    %dma_wait3A_42 = tpu.memref_slice %arg4[%mul3A_4, %rem3A_1, %dma_wait3A_41] : memref<4096x4x2048xf32, #tpu.memory_space<hbm>> -> memref<8x1x2048xf32, #tpu.memory_space<hbm>>
    %dma_wait3A_43 = tpu.memref_squeeze %dma_wait3A_42 : memref<8x1x2048xf32, #tpu.memory_space<hbm>> -> memref<8x2048xf32, #tpu.memory_space<hbm>>
    %dma_wait3A_44 = arith.constant 0 : i32
    %dma_wait3A_45 = tpu.memref_slice %arg4[%mul3A_4, %rem3A_1, %dma_wait3A_44] : memref<4096x4x2048xf32, #tpu.memory_space<hbm>> -> memref<8x1x2048xf32, #tpu.memory_space<hbm>>
    %dma_wait3A_46 = tpu.memref_squeeze %dma_wait3A_45 : memref<8x1x2048xf32, #tpu.memory_space<hbm>> -> memref<8x2048xf32, #tpu.memory_space<hbm>>
    tpu.wait_dma2 semaphore(%arg16 : memref<!tpu.dma_semaphore, #tpu.memory_space<semaphore_mem>>) src(%arg8 : memref<8x2048xf32, #tpu.memory_space<vmem>>) dst(%dma_wait3A_46 : memref<8x2048xf32, #tpu.memory_space<hbm>>)
    %dma_wait3A_47 = arith.constant 0 : i32
    %dma_wait3A_48 = tpu.memref_slice %arg4[%mul3A_4, %rem3A_1, %dma_wait3A_47] : memref<4096x4x2048xf32, #tpu.memory_space<hbm>> -> memref<8x1x2048xf32, #tpu.memory_space<hbm>>
    %dma_wait3A_49 = tpu.memref_squeeze %dma_wait3A_48 : memref<8x1x2048xf32, #tpu.memory_space<hbm>> -> memref<8x2048xf32, #tpu.memory_space<hbm>>
    %dma_wait3A_50 = arith.constant 0 : i32
    %dma_wait3A_51 = tpu.memref_slice %arg4[%mul3A_4, %rem3A_1, %dma_wait3A_50] : memref<4096x4x2048xf32, #tpu.memory_space<hbm>> -> memref<8x1x2048xf32, #tpu.memory_space<hbm>>
    %dma_wait3A_52 = tpu.memref_squeeze %dma_wait3A_51 : memref<8x1x2048xf32, #tpu.memory_space<hbm>> -> memref<8x2048xf32, #tpu.memory_space<hbm>>
    tpu.wait_dma2 semaphore(%arg17 : memref<!tpu.dma_semaphore, #tpu.memory_space<semaphore_mem>>) src(%arg9 : memref<8x2048xf32, #tpu.memory_space<vmem>>) dst(%dma_wait3A_52 : memref<8x2048xf32, #tpu.memory_space<hbm>>)
    return
  }
}

</mosaic_0001>

<sc_bundles>
// kernel: _embed_gather.3.cloned.1.call-start
scs
__scs_entry_jumppad:
0x0: {  	(pc) =	sbr.rel $0x88, $3  }
0x1: {  	(tag) =	ssettag $0x0;
	lr =	simm.s32 $0x1  }
0x2: {  	[smem:$0x3F9F] =	sst lr;
	_ =	strace $0xD0000000  }
0x3: {  	_ = 	snop  }
0x4: {  	_ = 	snop  }
0x5: {  	_ = 	snop  }
0x6: {  	_ = 	snop  }
0x7: {  	_ = 	snop  }
__scs_overlays_trampoline_lowered:
0x8: {  	[smem:$0x3FAE] =	sst s0  }
0x9: {  	[smem:$0x3FAF] =	sst s1  }
0xa: {  	[smem:$0x3FB0] =	sst s2  }
0xb: {  	[smem:$0x3FB1] =	sst s3  }
0xc: {  	[smem:$0x3FB2] =	sst s4  }
0xd: {  	[smem:$0x3FB3] =	sst s5  }
0xe: {  	[smem:$0x3FB4] =	sst s6  }
0xf: {  	[smem:$0x3FB5] =	sst s7  }
0x10: {  	[smem:$0x3FB6] =	sst s8  }
0x11: {  	[smem:$0x3FB7] =	sst s9;
	s0 =	simm.s32 @!p0 $0x0  }
0x12: {  	s1 =	sld [smem:$0x3F9D];
	s0 =	simm.s32 @p0 $0x1  }
0x13: {  	[smem:$0x3FB8] =	sst s0;
	s0 =	simm.s32 @!p1 $0x0  }
0x14: {  	s2 =	sld [smem:$0x3F9C];
	s0 =	simm.s32 @p1 $0x1  }
0x15: {  	[smem:$0x3FB9] =	sst s0;
	s0 =	simm.s32 @!p2 $0x0  }
0x16: {  	s3 =	sld [smem:$0x3FDB];
	s0 =	simm.s32 @p2 $0x1  }
0x17: {  	s4 =	simm.s32 $0x1BF5;
	[smem:$0x3FBB] =	sst s0  }
0x18: {  	s0 =	sld [smem:$0x3F9E];
	_ =	swait.ge [sflag:s4], $0x0  }
0x19: {  	s7 =	sld [smem:$0x3F9F]  }
0x1a: {  	s8 =	sadd.s32 $0xFFFFE003, lr  }
0x1b: {  	s9 =	sadd.s32 $0xFFFFFEF7, lr;
	s5 =	simm.s32 $0xFFFFFFFF;
	p2 =	slt.u32 s8, $0xFFFFF086  }
0x1c: {  	p1 =	slt.u32 s9, $0xF7A;
	s5 =	simm.s32 @!p2 $0x0  }
0x1d: {  	s5 =	simm.s32 @p1 $0x1;
	p0 =	seq.s32 s7, s2  }
0x1e: {  	s7 =	smul.u32 @!p0 $0xF7A, s2;
	p2 =	seq.s32 @!p0 s5, $0x0  }
0x1f: {  	s9 =	smul.u32 $0xF7A, s1;
	s8 =	simm.s32 @!p0 $0x1BF5;
	p2 =	por !p2, p0  }
0x20: {  	[sflag:s8] =	ssyncset.s32 @!p0 $0xFFFFF086;
	s6 =	sadd.s32 @!p0 s3, s7;
	s7 =	simm.s32 @!p0 $0x108  }
0x21: {  	s3 =	sadd.s32 s3, s9;
	s6 =	sadd.s32 @!p0 $0x88, s6;
	s7 =	simm.s32 @p2 $0x1082  }
0x22: {  	[simem:s7], [sflag:s8] =	dma.local @!p0 [hbm:s6], $0xF7A  }
0x23: {  	s9 =	sor.u32 $0xD0000000, s2;
	s6 =	simm.s32 $0x108;
	_ =	swait.ge @!p0 [sflag:s8], $0x0  }
0x24: {  	s3 =	sadd.s32 $0x88, s3;
	s6 =	simm.s32 @!p1 $0x1082;
	[sflag:s4] =	ssyncset.s32 $0xFFFFF086  }
0x25: {  	[simem:s6], [sflag:s4] =	dma.local [hbm:s3], $0xF7A  }
0x26: {  	[smem:$0x3F9F] =	sst s1;
	(tag) =	ssettag s2;
	_ =	strace s9  }
0x27: {  	s1 =	sld [smem:$0x3FAF]  }
0x28: {  	s2 =	sld [smem:$0x3FB0]  }
0x29: {  	s4 =	sld [smem:$0x3FB2]  }
0x2a: {  	p0 =	seq.s32 s5, $0x0;
	s5 =	sld [smem:$0x3FB3]  }
0x2b: {  	s6 =	sld [smem:$0x3FB4]  }
0x2c: {  	s7 =	sld [smem:$0x3FB5]  }
0x2d: {  	s3 =	simm.s32 $0x108;
	s8 =	sld [smem:$0x3FB6]  }
0x2e: {  	s3 =	simm.s32 @!p0 $0x1082;
	s9 =	sld [smem:$0x3FB7]  }
0x2f: {  	lr =	sadd.s32 s0, s3;
	s0 =	sld [smem:$0x3FAE]  }
0x30: {  	s3 =	sld [smem:$0x3FB1]  }
0x31: {  	[smem:$0x3FBA] =	sst s10  }
0x32: {  	s10 =	sld [smem:$0x3FB8];
	_ =	sdelay $0x3  }
0x33: {  	p0 =	seq.s32 s10, $0x1;
	s10 =	sld [smem:$0x3FBA];
	_ =	sdelay $0x3  }
0x34: {  	[smem:$0x3FBA] =	sst s10  }
0x35: {  	s10 =	sld [smem:$0x3FB9];
	_ =	sdelay $0x3  }
0x36: {  	p1 =	seq.s32 s10, $0x1;
	s10 =	sld [smem:$0x3FBA];
	_ =	sdelay $0x3  }
0x37: {  	[smem:$0x3FBA] =	sst s10  }
0x38: {  	s10 =	sld [smem:$0x3FBB]  }
0x39: {  	_ = 	snop;
	(pc) =	sbr.ind lr, $3  }
0x3a: {  	_ = 	snop  }
0x3b: {  	_ = 	snop  }
0x3c: {  	p2 =	seq.s32 s10, $0x1;
	s10 =	sld [smem:$0x3FBA]  }
0x3d: {  	_ =	shalt  }
0x3e: {  	_ =	shalt  }
0x3f: {  	_ =	shalt  }
0x40: {  	_ =	shalt  }
0x41: {  	_ =	shalt  }
0x42: {  	_ =	shalt  }
0x43: {  	_ =	shalt  }
0x44: {  	_ =	shalt  }
0x45: {  	_ =	shalt  }
0x46: {  	_ =	shalt  }
0x47: {  	_ =	shalt  }
0x48: {  	_ =	shalt  }
0x49: {  	_ =	shalt  }
0x4a: {  	_ =	shalt  }
0x4b: {  	_ =	shalt  }
0x4c: {  	_ =	shalt  }
0x4d: {  	_ =	shalt  }
0x4e: {  	_ =	shalt  }
0x4f: {  	_ =	shalt  }
0x50: {  	_ =	shalt  }
0x51: {  	_ =	shalt  }
0x52: {  	_ =	shalt  }
0x53: {  	_ =	shalt  }
0x54: {  	_ =	shalt  }
0x55: {  	_ =	shalt  }
0x56: {  	_ =	shalt  }
0x57: {  	_ =	shalt  }
0x58: {  	_ =	shalt  }
0x59: {  	_ =	shalt  }
0x5a: {  	_ =	shalt  }
0x5b: {  	_ =	shalt  }
0x5c: {  	_ =	shalt  }
0x5d: {  	_ =	shalt  }
0x5e: {  	_ =	shalt  }
0x5f: {  	_ =	shalt  }
0x60: {  	_ =	shalt  }
0x61: {  	_ =	shalt  }
0x62: {  	_ =	shalt  }
0x63: {  	_ =	shalt  }
0x64: {  	_ =	shalt  }
0x65: {  	_ =	shalt  }
0x66: {  	_ =	shalt  }
0x67: {  	_ =	shalt  }
0x68: {  	_ =	shalt  }
0x69: {  	_ =	shalt  }
0x6a: {  	_ =	shalt  }
0x6b: {  	_ =	shalt  }
0x6c: {  	_ =	shalt  }
0x6d: {  	_ =	shalt  }
0x6e: {  	_ =	shalt  }
0x6f: {  	_ =	shalt  }
0x70: {  	_ =	shalt  }
0x71: {  	_ =	shalt  }
0x72: {  	_ =	shalt  }
0x73: {  	_ =	shalt  }
0x74: {  	_ =	shalt  }
0x75: {  	_ =	shalt  }
0x76: {  	_ =	shalt  }
0x77: {  	_ =	shalt  }
0x78: {  	_ =	shalt  }
0x79: {  	_ =	shalt  }
0x7a: {  	_ =	shalt  }
0x7b: {  	_ =	shalt  }
0x7c: {  	_ =	shalt  }
0x7d: {  	_ =	shalt  }
0x7e: {  	_ =	shalt  }
0x7f: {  	_ =	shalt  }
0x80: {  	_ =	shalt  }
0x81: {  	_ =	shalt  }
0x82: {  	_ =	shalt  }
0x83: {  	_ =	shalt  }
0x84: {  	_ =	shalt  }
0x85: {  	_ =	shalt  }
0x86: {  	_ =	shalt  }
0x87: {  	_ =	shalt  }
.Lfunc_end0:
.L_simem_size_0:
called_computation_lowered:
.L_overlay_start_0:
0x88: {  	s2 =	sld [smem:$0x3FD9]  }
0x89: {  	s3 =	sld [smem:$0x3FFE];
	_ =	sdelay $0x1  }
0x8a: {  	s1 =	srdreg.scid  }
0x8b: {  	s0 =	sand.u32 $0x1, s1  }
0x8c: {  	s18 =	sshll.u32 s0, $0xA;
	s2 =	sadd.s32 s3, s2  }
0x8d: {  	s2 =	sadd.s32 s2, s18  }
0x8e: {  	[smem:$0x3FC6] =	sst s2  }
0x8f: {  	_ = 	snop  }
0x90: {  	s2 =	sld [smem:$0x3FC9]  }
0x91: {  	s19 =	sld [smem:$0x3FC8]  }
0x92: {  	s4 =	sld [smem:$0x3FD0];
	(tm) =	ssettm $0x1  }
0x93: {  	s5 =	sld [smem:$0x3FFB];
	_ =	sdelay $0x3  }
0x94: {  	_ =	strace s5  }
0x95: {  	s5 =	sld [smem:$0x3FFC];
	_ =	sdelay $0x3  }
0x96: {  	_ =	strace s5  }
0x97: {  	s5 =	sld [smem:$0x3FFD];
	_ =	sdelay $0x3  }
0x98: {  	_ =	strace s5  }
0x99: {  	_ =	strace $0x8FFFFFFF  }
0x9a: {  	s20 =	sld [smem:$0x3FDB];
	_ =	sdelay $0x1  }
0x9b: {  	s6 =	simm.s32 $_scs_section_size  }
0x9c: {  	s7 =	simm.s32 $_size__tile_overlayer_lowered;
	s8 =	simm.s32 $_tile_overlayer_lowered  }
0x9d: {  	s23 =	simm.s32 $0x1BFF;
	s22 =	sshll.u32 s8, $0x1;
	s5 =	sadd.s32 s6, s20  }
0x9e: {  	s9 =	simm.s32 $0x0;
	s21 =	sshll.u32 s7, $0x1;
	s7 =	sadd.s32 s22, s5  }
0x9f: {  	[timem:s9], [sflag:s23] =	dma.local [hbm:s7], s21  }
0xa0: {  	_ =	swait.ge [sflag:s23], s21  }
0xa1: {  	s6 =	ssub.s32 $0x0, s21;
	[sflag:s23] =	ssyncset.done $0x0  }
0xa2: {  	[sflag:s23] =	ssyncadd.s32 s6;
	_ =	sdelay $0x1  }
0xa3: {  	s24 =	simm.s32 $0x1B8B  }
0xa4: {  	_ =	swait.ge [sflag:s24], $0x1  }
0xa5: {  	[sflag:s24] =	ssyncset.done $0x0  }
0xa6: {  	s25 =	simm.s32 $0x1B8E;
	[sflag:s24] =	ssyncadd.s32 $0xFFFFFFFF  }
0xa7: {  	s26 =	simm.s32 $execute0_lowered;
	[smem:$0x3FD2] =	sst s25  }
0xa8: {  	s6 =	sshll.u32 s26, $0x1;
	_ =	strace $0x80000046;
	[dreg:$0x1] =	wrdreg $0xFFFFFFFF  }
0xa9: {  	s28 =	simm.s32 $_size_execute0_lowered;
	s5 =	sadd.s32 s5, s6;
	[dreg:$0x0] =	wrdreg $0x0  }
0xaa: {  	s6 =	sshll.u32 s28, $0x1;
	[dreg:$0x2] =	wrdreg s5  }
0xab: {  	[dreg:$0x3] =	wrdreg s6  }
0xac: {  	[dreg:$0x4] =	wrdreg $0xC0  }
0xad: {  	_ =	task [dreg:s9], $0x5FFFF  }
0xae: {  	[dreg:$0x1] =	wrdreg $0xFFFFFFFF  }
0xaf: {  	[dreg:$0x0] =	wrdreg $0x60  }
0xb0: {  	[dreg:$0x2] =	wrdreg s2  }
0xb1: {  	[dreg:$0x3] =	wrdreg s19  }
0xb2: {  	[dreg:$0x4] =	wrdreg s4  }
0xb3: {  	[dreg:$0x5] =	wrdreg $0x9  }
0xb4: {  	_ =	task.clear_ibuf [dreg:s9], $0x6FFFF;
	_ =	strace $0x90000046  }
0xb5: {  	s29 =	simm.s32 $0x9;
	_ =	strace $0x80000048  }
0xb6: {  	_ =	swait.ge [sflag:s29], $0x1  }
0xb7: {  	[sflag:s29] =	ssyncadd.s32 $0xFFFFFFFF  }
0xb8: {  	_ =	strace $0x90000048  }
0xb9: {  	_ =	sfence  }
0xba: {  	s30 =	sld [smem:$0x0];
	_ =	sdelay $0x2  }
0xbb: {  	s31 =	sshll.u32 s1, $0xD;
	s1 =	sshrl.u32 s1, $0x2  }
0xbc: {  	s3 =	sand.u32 $0x4000, s31;
	s1 =	sadd.s32 s1, s30  }
0xbd: {  	s0 =	sor.u32 s3, s0;
	s1 =	sshll.u32 s1, $0x11  }
0xbe: {  	s0 =	sor.u32 s1, s0  }
0xbf: {  	s0 =	sadd.s32 $0x8F2B, s0  }
0xc0: {  	[sflag:s0] =	ssyncadd.remote.s32 $0x1  }
0xc1: {  	_ =	sfence.sel $0xFFFF  }
0xc2: {  	[dreg:$0x0] =	wrdreg $0xFFFFFFFF;
	(pc) =	sbr.abs _section_cstart, $3  }
0xc3: {  	[dreg:$0x1] =	wrdreg $0xFFFFFFFF  }
0xc4: {  	_ =	task.clear_ibuf [dreg:s9], $0x2FFFF;
	_ =	strace $0x9FFFFFFF  }
0xc5: {  	(tm) =	ssettm $0x7FFFFFFF  }
tec
execute0_lowered:
.L_overlay_start_1:
0x0: {  	(tag) =	ssettag $0x1  }
0x1: {  	s0 =	rddreg [dreg:$0x0]  }
0x2: {  	s2 =	rddreg [dreg:$0x1]  }
0x3: {  	s1 =	rddreg [dreg:$0x2];
	s3 =	srdreg.scid  }
0x4: {  	s5 =	stileid.u32;
	s28 =	simm.s32 $0xC200;
	s29 =	simm.s32 $0xCA00  }
0x5: {  	s30 =	simm.s32 $0xD200;
	s31 =	simm.s32 $0xDA00;
	s14 =	simm.s32 $0x0  }
0x6: {  	s4 =	sand.u32 $0x1, s3;
	s17 =	sshll.u32 s5, $0x8;
	s8 =	sshrl.u32 s5, $0x1  }
0x7: {  	s3 =	simm.s32 $0x0;
	s7 =	sadd.s32 $0x300, s2;
	s9 =	sadd.s32 $0x500, s2  }
0x8: {  	s11 =	sadd.s32 $0x700, s2;
	s18 =	sshll.u32 s4, $0x7;
	s6 =	sand.u32 $0x100, s17  }
0x9: {  	s19 =	sshll.u32 s8, $0xB;
	[smem:$0x7FF] =	sst s3;
	s4 =	ssub.s32 $0x2, s4  }
0xa: {  	s21 =	sshll.u32 s8, $0x16;
	s8 =	sadd.s32 $0x400, s2;
	s17 =	simm.s32 $0x80  }
0xb: {  	s10 =	sor.u32 s18, s6;
	_ =	strace $0x80000047;
	s20 =	sshrl.u32 s4, $0x1  }
0xc: {  	s6 =	sadd.s32 $0x200, s2;
	s5 =	sor.u32 s19, s10;
	s4 =	ssub.s32 s4, s20  }
0xd: {  	s18 =	simm.s32 $0xE200;
	s5 =	sshrl.u32 s5, $0x3;
	s4 =	smax.u32 s4, $0x1  }
0xe: {  	s19 =	simm.s32 $0x2000;
	s0 =	sadd.s32 s0, s5;
	[dreg:$0x5] =	wrdreg s4  }
0xf: {  	s5 =	sadd.s32 $0x100, s2;
	[dreg:$0x4] =	wrdreg s0;
	s0 =	sor.u32 s21, s10  }
0x10: {  	s10 =	sadd.s32 $0x600, s2;
	s12 =	sor.u32 $0x30000, s0;
	s23 =	sor.u32 $0x20000, s0  }
0x11: {  	s25 =	sor.u32 $0x10000, s0;
	s0 =	sshrl.u32 s0, $0x3;
	s22 =	sshrl.u32 s12, $0x3  }
0x12: {  	s24 =	sshrl.u32 s23, $0x3;
	s26 =	sshrl.u32 s25, $0x3;
	s16 =	sadd.s32 s0, s1  }
.Ltmp0:
0x13: {  	s0 =	simm.s32 $0xEA00;
	s12 =	simm.s32 $0x1;
	(pc) =	sbr.rel .LBB2_1-.Ltmp0, $4  }
0x14: {  	s23 =	simm.s32 $0x8;
	s4 =	sadd.s32 s22, s1;
	s22 =	simm.s32 $0x4  }
0x15: {  	v0 =	vlaneseq.u32;
	[dreg:$0x6] =	wrdreg s4;
	s4 =	sadd.s32 s24, s1;
	s24 =	simm.s32 $0x3  }
0x16: {  	v1 =	vshrl.u32 v0, $0x3;
	[dreg:$0x7] =	wrdreg s4;
	s4 =	sadd.s32 s26, s1;
	s1 =	simm.s32 $0xF200  }
0x17: {  	vm0 =	vmmov $0xffff;
	v0 =	vand.u32 $0x7, v0;
	v1 =	vmul.u32 $0x8, v1;
	s26 =	simm.s32 $0x2;
	[dreg:$0x8] =	wrdreg s4;
	s4 =	simm.s32 $0xFA00  }
.LBB2_4:
0x18: {  	s13 =	simm.s32 $0x5  }
0x19: {  	_ =	swait.ge [sflag:s13], $0x4000  }
0x1a: {  	[sflag:s13] =	ssyncset.done $0x0  }
0x1b: {  	s20 =	simm.s32 $0x6;
	[sflag:s13] =	ssyncadd.s32 $0xFFFFC000  }
0x1c: {  	_ =	swait.ge [sflag:s20], $0x4000  }
0x1d: {  	[sflag:s20] =	ssyncset.done $0x0  }
0x1e: {  	s21 =	simm.s32 $0x7;
	[sflag:s20] =	ssyncadd.s32 $0xFFFFC000  }
0x1f: {  	_ =	swait.ge [sflag:s21], $0x4000  }
0x20: {  	[sflag:s21] =	ssyncset.done $0x0  }
0x21: {  	[sflag:s21] =	ssyncadd.s32 $0xFFFFC000  }
0x22: {  	_ =	swait.ge [sflag:s23], $0x4000  }
0x23: {  	s14 =	rddreg [dreg:$0x9]  }
0x24: {  	s25 =	rddreg [dreg:$0x5];
	s14 =	sadd.s32 $0x1, s14  }
0x25: {  	p0 =	sne.s32 s14, s25  }
.Ltmp1:
0x26: {  	_ = 	snop;
	(pc) =	sbr.rel @!p0 .LBB2_5-.Ltmp1, $3  }
0x27: {  	_ =	sdelay $0x1  }
0x28: {  	[sflag:s23] =	ssyncset.done $0x0  }
0x29: {  	[sflag:s23] =	ssyncadd.s32 $0xFFFFC000  }
.LBB2_1:
0x2a: {  	[dreg:$0x9] =	wrdreg s14  }
0x2b: {  	s13 =	rddreg [dreg:$0x4];
	s25 =	simm.s32 $0x200;
	s15 =	simm.s32 $0x9  }
0x2c: {  	[tilespmem:s3], [sflag:$0x9] =	stream.strided.gather [hbm4b:s13+s17], $0x200, s25, s17, $0x38;
	[tilespmem:$0x10200] =	vst v63  }
0x2d: {  	_ =	swait.ge [sflag:s15], $0x200  }
0x2e: {  	[sflag:s15] =	ssyncset.done $0x0  }
0x2f: {  	[sflag:s15] =	ssyncadd.s32 $0xFFFFFE00  }
0x30: {  	v2 =	vld.msk [tilespmem:$0x0], $0xff;
	_ =	sdelay $0x4  }
0x31: {  	v3 =	vshll.u32 v2, $0x4  }
0x32: {  	v2 =	vand.u32 $0x7, v2;
	v3 =	vand.u32 $0xFFFFFF80, v3  }
0x33: {  	v2 =	vor.u32 v2, v3  }
0x34: {  	v2 =	vperm.xlane v2, v0;
	_ =	sdelay $0x1  }
0x35: {  	v2 =	vadd.s32 v1, v2;
	_ =	sdelay $0x4  }
0x36: {  	[tilespmem:s25], [sflag:$0x1] =	stream.indirect_vreg.gather [hbm4b:s2+s3], $0x80, v2, vm0, $0xb8;
	[tilespmem:$0x10200] =	vst v63  }
0x37: {  	s20 =	simm.s32 $0xA00  }
0x38: {  	[tilespmem:s20], [sflag:$0x1] =	stream.indirect_vreg.gather [hbm4b:s5+s3], $0x80, v2, vm0, $0xb8;
	[tilespmem:$0x10200] =	vst v63  }
0x39: {  	s21 =	simm.s32 $0x1200  }
0x3a: {  	[tilespmem:s21], [sflag:$0x1] =	stream.indirect_vreg.gather [hbm4b:s6+s3], $0x80, v2, vm0, $0xb8;
	[tilespmem:$0x10200] =	vst v63  }
0x3b: {  	s25 =	simm.s32 $0x1A00  }
0x3c: {  	[tilespmem:s25], [sflag:$0x1] =	stream.indirect_vreg.gather [hbm4b:s7+s3], $0x80, v2, vm0, $0xb8;
	[tilespmem:$0x10200] =	vst v63  }
0x3d: {  	s14 =	simm.s32 $0x2200  }
0x3e: {  	[tilespmem:s14], [sflag:$0x1] =	stream.indirect_vreg.gather [hbm4b:s8+s3], $0x80, v2, vm0, $0xb8;
	[tilespmem:$0x10200] =	vst v63  }
0x3f: {  	s15 =	simm.s32 $0x2A00  }
0x40: {  	[tilespmem:s15], [sflag:$0x1] =	stream.indirect_vreg.gather [hbm4b:s9+s3], $0x80, v2, vm0, $0xb8;
	[tilespmem:$0x10200] =	vst v63  }
0x41: {  	s20 =	simm.s32 $0x3200  }
0x42: {  	[tilespmem:s20], [sflag:$0x1] =	stream.indirect_vreg.gather [hbm4b:s10+s3], $0x80, v2, vm0, $0xb8;
	[tilespmem:$0x10200] =	vst v63  }
0x43: {  	s21 =	simm.s32 $0x3A00  }
0x44: {  	[tilespmem:s21], [sflag:$0x1] =	stream.indirect_vreg.gather [hbm4b:s11+s3], $0x80, v2, vm0, $0xb8;
	[tilespmem:$0x10200] =	vst v63  }
0x45: {  	v2 =	vld.msk [tilespmem:$0x8], $0xff;
	_ =	sdelay $0x4  }
0x46: {  	v3 =	vshll.u32 v2, $0x4  }
0x47: {  	v2 =	vand.u32 $0x7, v2;
	v3 =	vand.u32 $0xFFFFFF80, v3  }
0x48: {  	v2 =	vor.u32 v2, v3  }
0x49: {  	v2 =	vperm.xlane v2, v0;
	_ =	sdelay $0x1  }
0x4a: {  	v2 =	vadd.s32 v1, v2;
	_ =	sdelay $0x3  }
0x4b: {  	s25 =	simm.s32 $0x4200  }
0x4c: {  	[tilespmem:s25], [sflag:$0x2] =	stream.indirect_vreg.gather [hbm4b:s2+s3], $0x80, v2, vm0, $0xb8;
	[tilespmem:$0x10200] =	vst v63  }
0x4d: {  	s14 =	simm.s32 $0x4A00  }
0x4e: {  	[tilespmem:s14], [sflag:$0x2] =	stream.indirect_vreg.gather [hbm4b:s5+s3], $0x80, v2, vm0, $0xb8;
	[tilespmem:$0x10200] =	vst v63  }
0x4f: {  	s15 =	simm.s32 $0x5200  }
0x50: {  	[tilespmem:s15], [sflag:$0x2] =	stream.indirect_vreg.gather [hbm4b:s6+s3], $0x80, v2, vm0, $0xb8;
	[tilespmem:$0x10200] =	vst v63  }
0x51: {  	s20 =	simm.s32 $0x5A00  }
0x52: {  	[tilespmem:s20], [sflag:$0x2] =	stream.indirect_vreg.gather [hbm4b:s7+s3], $0x80, v2, vm0, $0xb8;
	[tilespmem:$0x10200] =	vst v63  }
0x53: {  	s21 =	simm.s32 $0x6200  }
0x54: {  	[tilespmem:s21], [sflag:$0x2] =	stream.indirect_vreg.gather [hbm4b:s8+s3], $0x80, v2, vm0, $0xb8;
	[tilespmem:$0x10200] =	vst v63  }
0x55: {  	s25 =	simm.s32 $0x6A00  }
0x56: {  	[tilespmem:s25], [sflag:$0x2] =	stream.indirect_vreg.gather [hbm4b:s9+s3], $0x80, v2, vm0, $0xb8;
	[tilespmem:$0x10200] =	vst v63  }
0x57: {  	s14 =	simm.s32 $0x7200  }
0x58: {  	[tilespmem:s14], [sflag:$0x2] =	stream.indirect_vreg.gather [hbm4b:s10+s3], $0x80, v2, vm0, $0xb8;
	[tilespmem:$0x10200] =	vst v63  }
0x59: {  	s15 =	simm.s32 $0x7A00  }
0x5a: {  	[tilespmem:s15], [sflag:$0x2] =	stream.indirect_vreg.gather [hbm4b:s11+s3], $0x80, v2, vm0, $0xb8;
	[tilespmem:$0x10200] =	vst v63  }
0x5b: {  	v2 =	vld.msk [tilespmem:$0x10], $0xff;
	_ =	sdelay $0x4  }
0x5c: {  	v3 =	vshll.u32 v2, $0x4  }
0x5d: {  	v2 =	vand.u32 $0x7, v2;
	v3 =	vand.u32 $0xFFFFFF80, v3  }
0x5e: {  	v2 =	vor.u32 v2, v3  }
0x5f: {  	v2 =	vperm.xlane v2, v0;
	_ =	sdelay $0x1  }
0x60: {  	v2 =	vadd.s32 v1, v2;
	_ =	sdelay $0x3  }
0x61: {  	s20 =	simm.s32 $0x8200  }
0x62: {  	[tilespmem:s20], [sflag:$0x3] =	stream.indirect_vreg.gather [hbm4b:s2+s3], $0x80, v2, vm0, $0xb8;
	[tilespmem:$0x10200] =	vst v63  }
0x63: {  	s21 =	simm.s32 $0x8A00  }
0x64: {  	[tilespmem:s21], [sflag:$0x3] =	stream.indirect_vreg.gather [hbm4b:s5+s3], $0x80, v2, vm0, $0xb8;
	[tilespmem:$0x10200] =	vst v63  }
0x65: {  	s25 =	simm.s32 $0x9200  }
0x66: {  	[tilespmem:s25], [sflag:$0x3] =	stream.indirect_vreg.gather [hbm4b:s6+s3], $0x80, v2, vm0, $0xb8;
	[tilespmem:$0x10200] =	vst v63  }
0x67: {  	s14 =	simm.s32 $0x9A00  }
0x68: {  	[tilespmem:s14], [sflag:$0x3] =	stream.indirect_vreg.gather [hbm4b:s7+s3], $0x80, v2, vm0, $0xb8;
	[tilespmem:$0x10200] =	vst v63  }
0x69: {  	s15 =	simm.s32 $0xA200  }
0x6a: {  	[tilespmem:s15], [sflag:$0x3] =	stream.indirect_vreg.gather [hbm4b:s8+s3], $0x80, v2, vm0, $0xb8;
	[tilespmem:$0x10200] =	vst v63  }
0x6b: {  	s20 =	simm.s32 $0xAA00  }
0x6c: {  	[tilespmem:s20], [sflag:$0x3] =	stream.indirect_vreg.gather [hbm4b:s9+s3], $0x80, v2, vm0, $0xb8;
	[tilespmem:$0x10200] =	vst v63  }
0x6d: {  	s21 =	simm.s32 $0xB200  }
0x6e: {  	[tilespmem:s21], [sflag:$0x3] =	stream.indirect_vreg.gather [hbm4b:s10+s3], $0x80, v2, vm0, $0xb8;
	[tilespmem:$0x10200] =	vst v63  }
0x6f: {  	s25 =	simm.s32 $0xBA00  }
0x70: {  	[tilespmem:s25], [sflag:$0x3] =	stream.indirect_vreg.gather [hbm4b:s11+s3], $0x80, v2, vm0, $0xb8;
	[tilespmem:$0x10200] =	vst v63  }
0x71: {  	v2 =	vld.msk [tilespmem:$0x18], $0xff;
	_ =	sdelay $0x4  }
0x72: {  	v3 =	vshll.u32 v2, $0x4  }
0x73: {  	v2 =	vand.u32 $0x7, v2;
	v3 =	vand.u32 $0xFFFFFF80, v3  }
0x74: {  	v2 =	vor.u32 v2, v3  }
0x75: {  	v2 =	vperm.xlane v2, v0;
	_ =	sdelay $0x1  }
0x76: {  	v2 =	vadd.s32 v1, v2;
	_ =	sdelay $0x4  }
0x77: {  	[tilespmem:s28], [sflag:$0x4] =	stream.indirect_vreg.gather [hbm4b:s2+s3], $0x80, v2, vm0, $0xb8;
	[tilespmem:$0x10200] =	vst v63  }
0x78: {  	_ = 	snop  }
0x79: {  	[tilespmem:s29], [sflag:$0x4] =	stream.indirect_vreg.gather [hbm4b:s5+s3], $0x80, v2, vm0, $0xb8;
	[tilespmem:$0x10200] =	vst v63  }
0x7a: {  	_ = 	snop  }
0x7b: {  	[tilespmem:s30], [sflag:$0x4] =	stream.indirect_vreg.gather [hbm4b:s6+s3], $0x80, v2, vm0, $0xb8;
	[tilespmem:$0x10200] =	vst v63  }
0x7c: {  	_ = 	snop  }
0x7d: {  	[tilespmem:s31], [sflag:$0x4] =	stream.indirect_vreg.gather [hbm4b:s7+s3], $0x80, v2, vm0, $0xb8;
	[tilespmem:$0x10200] =	vst v63  }
0x7e: {  	_ = 	snop  }
0x7f: {  	[tilespmem:s18], [sflag:$0x4] =	stream.indirect_vreg.gather [hbm4b:s8+s3], $0x80, v2, vm0, $0xb8;
	[tilespmem:$0x10200] =	vst v63  }
0x80: {  	_ = 	snop  }
0x81: {  	[tilespmem:s0], [sflag:$0x4] =	stream.indirect_vreg.gather [hbm4b:s9+s3], $0x80, v2, vm0, $0xb8;
	[tilespmem:$0x10200] =	vst v63  }
0x82: {  	_ = 	snop  }
0x83: {  	[tilespmem:s1], [sflag:$0x4] =	stream.indirect_vreg.gather [hbm4b:s10+s3], $0x80, v2, vm0, $0xb8;
	[tilespmem:$0x10200] =	vst v63  }
0x84: {  	s20 =	simm.s32 $0x38;
	s25 =	simm.s32 $0x0  }
0x85: {  	[tilespmem:s4], [sflag:$0x4] =	stream.indirect_vreg.gather [hbm4b:s11+s3], $0x80, v2, vm0, $0xb8;
	[tilespmem:$0x10200] =	vst v63  }
.LBB2_2:
0x86: {  	_ =	swait.ge [sflag:s12], $0x4000  }
0x87: {  	[sflag:s12] =	ssyncset.done $0x0  }
0x88: {  	s21 =	sadd.s32 s25, s16;
	s13 =	simm.s32 $0x200;
	[sflag:s12] =	ssyncadd.s32 $0xFFFFC000  }
0x89: {  	[hbm4b:s21+s17] =	stream.strided.scatter [tilespmem:s13], [sflag:$0x5], $0x400, s19, s17, $0x38;
	[tilespmem:$0x10200] =	vst v63  }
0x8a: {  	s14 =	simm.s32 $0x600;
	s15 =	sadd.s32 $0x40, s21  }
0x8b: {  	[hbm4b:s15+s17] =	stream.strided.scatter [tilespmem:s14], [sflag:$0x5], $0x400, s19, s17, $0x38;
	[tilespmem:$0x10200] =	vst v63  }
0x8c: {  	s14 =	sadd.s32 $0x80, s21;
	s15 =	simm.s32 $0xA00  }
0x8d: {  	[hbm4b:s14+s17] =	stream.strided.scatter [tilespmem:s15], [sflag:$0x5], $0x400, s19, s17, $0x38;
	[tilespmem:$0x10200] =	vst v63  }
0x8e: {  	s14 =	sadd.s32 $0xC0, s21;
	s15 =	simm.s32 $0xE00  }
0x8f: {  	[hbm4b:s14+s17] =	stream.strided.scatter [tilespmem:s15], [sflag:$0x5], $0x400, s19, s17, $0x38;
	[tilespmem:$0x10200] =	vst v63  }
0x90: {  	s14 =	sadd.s32 $0x100, s21;
	s15 =	simm.s32 $0x1200  }
0x91: {  	[hbm4b:s14+s17] =	stream.strided.scatter [tilespmem:s15], [sflag:$0x5], $0x400, s19, s17, $0x38;
	[tilespmem:$0x10200] =	vst v63  }
0x92: {  	s14 =	sadd.s32 $0x140, s21;
	s15 =	simm.s32 $0x1600  }
0x93: {  	[hbm4b:s14+s17] =	stream.strided.scatter [tilespmem:s15], [sflag:$0x5], $0x400, s19, s17, $0x38;
	[tilespmem:$0x10200] =	vst v63  }
0x94: {  	s14 =	sadd.s32 $0x180, s21;
	s15 =	simm.s32 $0x1A00  }
0x95: {  	[hbm4b:s14+s17] =	stream.strided.scatter [tilespmem:s15], [sflag:$0x5], $0x400, s19, s17, $0x38;
	[tilespmem:$0x10200] =	vst v63  }
0x96: {  	s14 =	sadd.s32 $0x1C0, s21;
	s15 =	simm.s32 $0x1E00  }
0x97: {  	[hbm4b:s14+s17] =	stream.strided.scatter [tilespmem:s15], [sflag:$0x5], $0x400, s19, s17, $0x38;
	[tilespmem:$0x10200] =	vst v63  }
0x98: {  	s14 =	sadd.s32 $0x200, s21;
	s15 =	simm.s32 $0x2200  }
0x99: {  	[hbm4b:s14+s17] =	stream.strided.scatter [tilespmem:s15], [sflag:$0x5], $0x400, s19, s17, $0x38;
	[tilespmem:$0x10200] =	vst v63  }
0x9a: {  	s14 =	sadd.s32 $0x240, s21;
	s15 =	simm.s32 $0x2600  }
0x9b: {  	[hbm4b:s14+s17] =	stream.strided.scatter [tilespmem:s15], [sflag:$0x5], $0x400, s19, s17, $0x38;
	[tilespmem:$0x10200] =	vst v63  }
0x9c: {  	s14 =	sadd.s32 $0x280, s21;
	s15 =	simm.s32 $0x2A00  }
0x9d: {  	[hbm4b:s14+s17] =	stream.strided.scatter [tilespmem:s15], [sflag:$0x5], $0x400, s19, s17, $0x38;
	[tilespmem:$0x10200] =	vst v63  }
0x9e: {  	s14 =	sadd.s32 $0x2C0, s21;
	s15 =	simm.s32 $0x2E00  }
0x9f: {  	[hbm4b:s14+s17] =	stream.strided.scatter [tilespmem:s15], [sflag:$0x5], $0x400, s19, s17, $0x38;
	[tilespmem:$0x10200] =	vst v63  }
0xa0: {  	s14 =	sadd.s32 $0x300, s21;
	s15 =	simm.s32 $0x3200  }
0xa1: {  	[hbm4b:s14+s17] =	stream.strided.scatter [tilespmem:s15], [sflag:$0x5], $0x400, s19, s17, $0x38;
	[tilespmem:$0x10200] =	vst v63  }
0xa2: {  	s14 =	sadd.s32 $0x340, s21;
	s15 =	simm.s32 $0x3600  }
0xa3: {  	[hbm4b:s14+s17] =	stream.strided.scatter [tilespmem:s15], [sflag:$0x5], $0x400, s19, s17, $0x38;
	[tilespmem:$0x10200] =	vst v63  }
0xa4: {  	p0 =	seq.s32 s25, $0x78000;
	s14 =	sadd.s32 $0x380, s21;
	s15 =	simm.s32 $0x3A00  }
0xa5: {  	[hbm4b:s14+s17] =	stream.strided.scatter [tilespmem:s15], [sflag:$0x5], $0x400, s19, s17, $0x38;
	[tilespmem:$0x10200] =	vst v63  }
0xa6: {  	s13 =	simm.s32 @!p0 $0x5;
	s15 =	sadd.s32 $0x3C0, s21;
	s21 =	simm.s32 $0x3E00  }
0xa7: {  	[hbm4b:s15+s17] =	stream.strided.scatter [tilespmem:s21], [sflag:$0x5], $0x400, s19, s17, $0x38;
	[tilespmem:$0x10200] =	vst v63  }
0xa8: {  	_ =	swait.ge @!p0 [sflag:s13], $0x4000  }
0xa9: {  	[sflag:s13] =	ssyncset.done @!p0 $0x0  }
0xaa: {  	[sflag:s13] =	ssyncadd.s32 @!p0 $0xFFFFC000  }
0xab: {  	v2 =	vld.msk @!p0 [tilespmem:s20+$0xFFFFFFE8], $0xff;
	_ =	sdelay $0x4  }
0xac: {  	v3 =	vshll.u32 @!p0 v2, $0x4  }
0xad: {  	v4 =	vlaneseq.u32 @!p0;
	v2 =	vand.u32 @!p0 $0x7, v2;
	v3 =	vand.u32 @!p0 $0xFFFFFF80, v3  }
0xae: {  	v3 =	vor.u32 @!p0 v2, v3;
	v2 =	vand.u32 @!p0 $0x7, v4;
	v4 =	vshrl.u32 @!p0 v4, $0x3  }
0xaf: {  	v3 =	vperm.xlane @!p0 v3, v2;
	v4 =	vmul.u32 @!p0 $0x8, v4;
	_ =	sdelay $0x1  }
0xb0: {  	v3 =	vadd.s32 @!p0 v4, v3;
	_ =	sdelay $0x3  }
0xb1: {  	vm1 =	vmmov @!p0 $0xffff;
	s21 =	simm.s32 @!p0 $0x0;
	s13 =	simm.s32 @!p0 $0x200  }
0xb2: {  	[tilespmem:s13], [sflag:$0x1] =	stream.indirect_vreg.gather @!p0 [hbm4b:s2+s21], $0x80, v3, vm1, $0xb8;
	[tilespmem:$0x10200] =	vst v63  }
0xb3: {  	s13 =	simm.s32 @!p0 $0xA00  }
0xb4: {  	[tilespmem:s13], [sflag:$0x1] =	stream.indirect_vreg.gather @!p0 [hbm4b:s5+s21], $0x80, v3, vm1, $0xb8;
	[tilespmem:$0x10200] =	vst v63  }
0xb5: {  	s13 =	simm.s32 @!p0 $0x1200  }
0xb6: {  	[tilespmem:s13], [sflag:$0x1] =	stream.indirect_vreg.gather @!p0 [hbm4b:s6+s21], $0x80, v3, vm1, $0xb8;
	[tilespmem:$0x10200] =	vst v63  }
0xb7: {  	s13 =	simm.s32 @!p0 $0x1A00  }
0xb8: {  	[tilespmem:s13], [sflag:$0x1] =	stream.indirect_vreg.gather @!p0 [hbm4b:s7+s21], $0x80, v3, vm1, $0xb8;
	[tilespmem:$0x10200] =	vst v63  }
0xb9: {  	s13 =	simm.s32 @!p0 $0x2200  }
0xba: {  	[tilespmem:s13], [sflag:$0x1] =	stream.indirect_vreg.gather @!p0 [hbm4b:s8+s21], $0x80, v3, vm1, $0xb8;
	[tilespmem:$0x10200] =	vst v63  }
0xbb: {  	s13 =	simm.s32 @!p0 $0x2A00  }
0xbc: {  	[tilespmem:s13], [sflag:$0x1] =	stream.indirect_vreg.gather @!p0 [hbm4b:s9+s21], $0x80, v3, vm1, $0xb8;
	[tilespmem:$0x10200] =	vst v63  }
0xbd: {  	s13 =	simm.s32 @!p0 $0x3200  }
0xbe: {  	[tilespmem:s13], [sflag:$0x1] =	stream.indirect_vreg.gather @!p0 [hbm4b:s10+s21], $0x80, v3, vm1, $0xb8;
	[tilespmem:$0x10200] =	vst v63  }
0xbf: {  	s13 =	simm.s32 @!p0 $0x3A00  }
0xc0: {  	[tilespmem:s13], [sflag:$0x1] =	stream.indirect_vreg.gather @!p0 [hbm4b:s11+s21], $0x80, v3, vm1, $0xb8;
	[tilespmem:$0x10200] =	vst v63  }
0xc1: {  	_ =	swait.ge [sflag:s26], $0x4000  }
0xc2: {  	[sflag:s26] =	ssyncset.done $0x0;
	s14 =	rddreg [dreg:$0x8]  }
0xc3: {  	s15 =	simm.s32 $0x4200;
	[sflag:s26] =	ssyncadd.s32 $0xFFFFC000;
	s13 =	sadd.s32 s25, s14  }
0xc4: {  	[hbm4b:s13+s17] =	stream.strided.scatter [tilespmem:s15], [sflag:$0x6], $0x400, s19, s17, $0x38;
	[tilespmem:$0x10200] =	vst v63  }
0xc5: {  	s14 =	sadd.s32 $0x40, s13;
	s15 =	simm.s32 $0x4600  }
0xc6: {  	[hbm4b:s14+s17] =	stream.strided.scatter [tilespmem:s15], [sflag:$0x6], $0x400, s19, s17, $0x38;
	[tilespmem:$0x10200] =	vst v63  }
0xc7: {  	s14 =	sadd.s32 $0x80, s13;
	s15 =	simm.s32 $0x4A00  }
0xc8: {  	[hbm4b:s14+s17] =	stream.strided.scatter [tilespmem:s15], [sflag:$0x6], $0x400, s19, s17, $0x38;
	[tilespmem:$0x10200] =	vst v63  }
0xc9: {  	s14 =	sadd.s32 $0xC0, s13;
	s15 =	simm.s32 $0x4E00  }
0xca: {  	[hbm4b:s14+s17] =	stream.strided.scatter [tilespmem:s15], [sflag:$0x6], $0x400, s19, s17, $0x38;
	[tilespmem:$0x10200] =	vst v63  }
0xcb: {  	s14 =	sadd.s32 $0x100, s13;
	s15 =	simm.s32 $0x5200  }
0xcc: {  	[hbm4b:s14+s17] =	stream.strided.scatter [tilespmem:s15], [sflag:$0x6], $0x400, s19, s17, $0x38;
	[tilespmem:$0x10200] =	vst v63  }
0xcd: {  	s14 =	sadd.s32 $0x140, s13;
	s15 =	simm.s32 $0x5600  }
0xce: {  	[hbm4b:s14+s17] =	stream.strided.scatter [tilespmem:s15], [sflag:$0x6], $0x400, s19, s17, $0x38;
	[tilespmem:$0x10200] =	vst v63  }
0xcf: {  	s14 =	sadd.s32 $0x180, s13;
	s15 =	simm.s32 $0x5A00  }
0xd0: {  	[hbm4b:s14+s17] =	stream.strided.scatter [tilespmem:s15], [sflag:$0x6], $0x400, s19, s17, $0x38;
	[tilespmem:$0x10200] =	vst v63  }
0xd1: {  	s14 =	sadd.s32 $0x1C0, s13;
	s15 =	simm.s32 $0x5E00  }
0xd2: {  	[hbm4b:s14+s17] =	stream.strided.scatter [tilespmem:s15], [sflag:$0x6], $0x400, s19, s17, $0x38;
	[tilespmem:$0x10200] =	vst v63  }
0xd3: {  	s14 =	sadd.s32 $0x200, s13;
	s15 =	simm.s32 $0x6200  }
0xd4: {  	[hbm4b:s14+s17] =	stream.strided.scatter [tilespmem:s15], [sflag:$0x6], $0x400, s19, s17, $0x38;
	[tilespmem:$0x10200] =	vst v63  }
0xd5: {  	s14 =	sadd.s32 $0x240, s13;
	s15 =	simm.s32 $0x6600  }
0xd6: {  	[hbm4b:s14+s17] =	stream.strided.scatter [tilespmem:s15], [sflag:$0x6], $0x400, s19, s17, $0x38;
	[tilespmem:$0x10200] =	vst v63  }
0xd7: {  	s14 =	sadd.s32 $0x280, s13;
	s15 =	simm.s32 $0x6A00  }
0xd8: {  	[hbm4b:s14+s17] =	stream.strided.scatter [tilespmem:s15], [sflag:$0x6], $0x400, s19, s17, $0x38;
	[tilespmem:$0x10200] =	vst v63  }
0xd9: {  	s14 =	sadd.s32 $0x2C0, s13;
	s15 =	simm.s32 $0x6E00  }
0xda: {  	[hbm4b:s14+s17] =	stream.strided.scatter [tilespmem:s15], [sflag:$0x6], $0x400, s19, s17, $0x38;
	[tilespmem:$0x10200] =	vst v63  }
0xdb: {  	s14 =	sadd.s32 $0x300, s13;
	s15 =	simm.s32 $0x7200  }
0xdc: {  	[hbm4b:s14+s17] =	stream.strided.scatter [tilespmem:s15], [sflag:$0x6], $0x400, s19, s17, $0x38;
	[tilespmem:$0x10200] =	vst v63  }
0xdd: {  	s14 =	sadd.s32 $0x340, s13;
	s15 =	simm.s32 $0x7600  }
0xde: {  	[hbm4b:s14+s17] =	stream.strided.scatter [tilespmem:s15], [sflag:$0x6], $0x400, s19, s17, $0x38;
	[tilespmem:$0x10200] =	vst v63  }
0xdf: {  	s14 =	sadd.s32 $0x380, s13;
	s15 =	simm.s32 $0x7A00  }
0xe0: {  	[hbm4b:s14+s17] =	stream.strided.scatter [tilespmem:s15], [sflag:$0x6], $0x400, s19, s17, $0x38;
	[tilespmem:$0x10200] =	vst v63  }
0xe1: {  	s13 =	sadd.s32 $0x3C0, s13;
	s15 =	simm.s32 $0x7E00  }
0xe2: {  	[hbm4b:s13+s17] =	stream.strided.scatter [tilespmem:s15], [sflag:$0x6], $0x400, s19, s17, $0x38;
	[tilespmem:$0x10200] =	vst v63  }
0xe3: {  	s13 =	simm.s32 @!p0 $0x6  }
0xe4: {  	_ =	swait.ge @!p0 [sflag:s13], $0x4000  }
0xe5: {  	[sflag:s13] =	ssyncset.done @!p0 $0x0  }
0xe6: {  	[sflag:s13] =	ssyncadd.s32 @!p0 $0xFFFFC000  }
0xe7: {  	v3 =	vld.msk @!p0 [tilespmem:s20+$0xFFFFFFF0], $0xff;
	_ =	sdelay $0x4  }
0xe8: {  	v5 =	vshll.u32 @!p0 v3, $0x4  }
0xe9: {  	v3 =	vand.u32 @!p0 $0x7, v3;
	v5 =	vand.u32 @!p0 $0xFFFFFF80, v5  }
0xea: {  	v3 =	vor.u32 @!p0 v3, v5  }
0xeb: {  	v3 =	vperm.xlane @!p0 v3, v2;
	_ =	sdelay $0x1  }
0xec: {  	v3 =	vadd.s32 @!p0 v4, v3;
	_ =	sdelay $0x3  }
0xed: {  	s13 =	simm.s32 @!p0 $0x4200  }
0xee: {  	[tilespmem:s13], [sflag:$0x2] =	stream.indirect_vreg.gather @!p0 [hbm4b:s2+s21], $0x80, v3, vm1, $0xb8;
	[tilespmem:$0x10200] =	vst v63  }
0xef: {  	s13 =	simm.s32 @!p0 $0x4A00  }
0xf0: {  	[tilespmem:s13], [sflag:$0x2] =	stream.indirect_vreg.gather @!p0 [hbm4b:s5+s21], $0x80, v3, vm1, $0xb8;
	[tilespmem:$0x10200] =	vst v63  }
0xf1: {  	s13 =	simm.s32 @!p0 $0x5200  }
0xf2: {  	[tilespmem:s13], [sflag:$0x2] =	stream.indirect_vreg.gather @!p0 [hbm4b:s6+s21], $0x80, v3, vm1, $0xb8;
	[tilespmem:$0x10200] =	vst v63  }
0xf3: {  	s13 =	simm.s32 @!p0 $0x5A00  }
0xf4: {  	[tilespmem:s13], [sflag:$0x2] =	stream.indirect_vreg.gather @!p0 [hbm4b:s7+s21], $0x80, v3, vm1, $0xb8;
	[tilespmem:$0x10200] =	vst v63  }
0xf5: {  	s13 =	simm.s32 @!p0 $0x6200  }
0xf6: {  	[tilespmem:s13], [sflag:$0x2] =	stream.indirect_vreg.gather @!p0 [hbm4b:s8+s21], $0x80, v3, vm1, $0xb8;
	[tilespmem:$0x10200] =	vst v63  }
0xf7: {  	s13 =	simm.s32 @!p0 $0x6A00  }
0xf8: {  	[tilespmem:s13], [sflag:$0x2] =	stream.indirect_vreg.gather @!p0 [hbm4b:s9+s21], $0x80, v3, vm1, $0xb8;
	[tilespmem:$0x10200] =	vst v63  }
0xf9: {  	s13 =	simm.s32 @!p0 $0x7200  }
0xfa: {  	[tilespmem:s13], [sflag:$0x2] =	stream.indirect_vreg.gather @!p0 [hbm4b:s10+s21], $0x80, v3, vm1, $0xb8;
	[tilespmem:$0x10200] =	vst v63  }
0xfb: {  	s13 =	simm.s32 @!p0 $0x7A00  }
0xfc: {  	[tilespmem:s13], [sflag:$0x2] =	stream.indirect_vreg.gather @!p0 [hbm4b:s11+s21], $0x80, v3, vm1, $0xb8;
	[tilespmem:$0x10200] =	vst v63  }
0xfd: {  	_ =	swait.ge [sflag:s24], $0x4000  }
0xfe: {  	[sflag:s24] =	ssyncset.done $0x0;
	s14 =	rddreg [dreg:$0x7]  }
0xff: {  	s15 =	simm.s32 $0x8200;
	[sflag:s24] =	ssyncadd.s32 $0xFFFFC000;
	s13 =	sadd.s32 s25, s14  }
0x100: {  	[hbm4b:s13+s17] =	stream.strided.scatter [tilespmem:s15], [sflag:$0x7], $0x400, s19, s17, $0x38;
	[tilespmem:$0x10200] =	vst v63  }
0x101: {  	s14 =	sadd.s32 $0x40, s13;
	s15 =	simm.s32 $0x8600  }
0x102: {  	[hbm4b:s14+s17] =	stream.strided.scatter [tilespmem:s15], [sflag:$0x7], $0x400, s19, s17, $0x38;
	[tilespmem:$0x10200] =	vst v63  }
0x103: {  	s14 =	sadd.s32 $0x80, s13;
	s15 =	simm.s32 $0x8A00  }
0x104: {  	[hbm4b:s14+s17] =	stream.strided.scatter [tilespmem:s15], [sflag:$0x7], $0x400, s19, s17, $0x38;
	[tilespmem:$0x10200] =	vst v63  }
0x105: {  	s14 =	sadd.s32 $0xC0, s13;
	s15 =	simm.s32 $0x8E00  }
0x106: {  	[hbm4b:s14+s17] =	stream.strided.scatter [tilespmem:s15], [sflag:$0x7], $0x400, s19, s17, $0x38;
	[tilespmem:$0x10200] =	vst v63  }
0x107: {  	s14 =	sadd.s32 $0x100, s13;
	s15 =	simm.s32 $0x9200  }
0x108: {  	[hbm4b:s14+s17] =	stream.strided.scatter [tilespmem:s15], [sflag:$0x7], $0x400, s19, s17, $0x38;
	[tilespmem:$0x10200] =	vst v63  }
0x109: {  	s14 =	sadd.s32 $0x140, s13;
	s15 =	simm.s32 $0x9600  }
0x10a: {  	[hbm4b:s14+s17] =	stream.strided.scatter [tilespmem:s15], [sflag:$0x7], $0x400, s19, s17, $0x38;
	[tilespmem:$0x10200] =	vst v63  }
0x10b: {  	s14 =	sadd.s32 $0x180, s13;
	s15 =	simm.s32 $0x9A00  }
0x10c: {  	[hbm4b:s14+s17] =	stream.strided.scatter [tilespmem:s15], [sflag:$0x7], $0x400, s19, s17, $0x38;
	[tilespmem:$0x10200] =	vst v63  }
0x10d: {  	s14 =	sadd.s32 $0x1C0, s13;
	s15 =	simm.s32 $0x9E00  }
0x10e: {  	[hbm4b:s14+s17] =	stream.strided.scatter [tilespmem:s15], [sflag:$0x7], $0x400, s19, s17, $0x38;
	[tilespmem:$0x10200] =	vst v63  }
0x10f: {  	s14 =	sadd.s32 $0x200, s13;
	s15 =	simm.s32 $0xA200  }
0x110: {  	[hbm4b:s14+s17] =	stream.strided.scatter [tilespmem:s15], [sflag:$0x7], $0x400, s19, s17, $0x38;
	[tilespmem:$0x10200] =	vst v63  }
0x111: {  	s14 =	sadd.s32 $0x240, s13;
	s15 =	simm.s32 $0xA600  }
0x112: {  	[hbm4b:s14+s17] =	stream.strided.scatter [tilespmem:s15], [sflag:$0x7], $0x400, s19, s17, $0x38;
	[tilespmem:$0x10200] =	vst v63  }
0x113: {  	s14 =	sadd.s32 $0x280, s13;
	s15 =	simm.s32 $0xAA00  }
0x114: {  	[hbm4b:s14+s17] =	stream.strided.scatter [tilespmem:s15], [sflag:$0x7], $0x400, s19, s17, $0x38;
	[tilespmem:$0x10200] =	vst v63  }
0x115: {  	s14 =	sadd.s32 $0x2C0, s13;
	s15 =	simm.s32 $0xAE00  }
0x116: {  	[hbm4b:s14+s17] =	stream.strided.scatter [tilespmem:s15], [sflag:$0x7], $0x400, s19, s17, $0x38;
	[tilespmem:$0x10200] =	vst v63  }
0x117: {  	s14 =	sadd.s32 $0x300, s13;
	s15 =	simm.s32 $0xB200  }
0x118: {  	[hbm4b:s14+s17] =	stream.strided.scatter [tilespmem:s15], [sflag:$0x7], $0x400, s19, s17, $0x38;
	[tilespmem:$0x10200] =	vst v63  }
0x119: {  	s14 =	sadd.s32 $0x340, s13;
	s15 =	simm.s32 $0xB600  }
0x11a: {  	[hbm4b:s14+s17] =	stream.strided.scatter [tilespmem:s15], [sflag:$0x7], $0x400, s19, s17, $0x38;
	[tilespmem:$0x10200] =	vst v63  }
0x11b: {  	s14 =	sadd.s32 $0x380, s13;
	s15 =	simm.s32 $0xBA00  }
0x11c: {  	[hbm4b:s14+s17] =	stream.strided.scatter [tilespmem:s15], [sflag:$0x7], $0x400, s19, s17, $0x38;
	[tilespmem:$0x10200] =	vst v63  }
0x11d: {  	s13 =	sadd.s32 $0x3C0, s13;
	s15 =	simm.s32 $0xBE00  }
0x11e: {  	[hbm4b:s13+s17] =	stream.strided.scatter [tilespmem:s15], [sflag:$0x7], $0x400, s19, s17, $0x38;
	[tilespmem:$0x10200] =	vst v63  }
0x11f: {  	s13 =	simm.s32 @!p0 $0x7  }
0x120: {  	_ =	swait.ge @!p0 [sflag:s13], $0x4000  }
0x121: {  	[sflag:s13] =	ssyncset.done @!p0 $0x0  }
0x122: {  	[sflag:s13] =	ssyncadd.s32 @!p0 $0xFFFFC000  }
0x123: {  	v3 =	vld.msk @!p0 [tilespmem:s20+$0xFFFFFFF8], $0xff;
	_ =	sdelay $0x4  }
0x124: {  	v5 =	vshll.u32 @!p0 v3, $0x4  }
0x125: {  	v3 =	vand.u32 @!p0 $0x7, v3;
	v5 =	vand.u32 @!p0 $0xFFFFFF80, v5  }
0x126: {  	v3 =	vor.u32 @!p0 v3, v5  }
0x127: {  	v2 =	vperm.xlane @!p0 v3, v2;
	_ =	sdelay $0x1  }
0x128: {  	v2 =	vadd.s32 @!p0 v4, v2;
	_ =	sdelay $0x3  }
0x129: {  	s13 =	simm.s32 @!p0 $0x8200  }
0x12a: {  	[tilespmem:s13], [sflag:$0x3] =	stream.indirect_vreg.gather @!p0 [hbm4b:s2+s21], $0x80, v2, vm1, $0xb8;
	[tilespmem:$0x10200] =	vst v63  }
0x12b: {  	s13 =	simm.s32 @!p0 $0x8A00  }
0x12c: {  	[tilespmem:s13], [sflag:$0x3] =	stream.indirect_vreg.gather @!p0 [hbm4b:s5+s21], $0x80, v2, vm1, $0xb8;
	[tilespmem:$0x10200] =	vst v63  }
0x12d: {  	s13 =	simm.s32 @!p0 $0x9200  }
0x12e: {  	[tilespmem:s13], [sflag:$0x3] =	stream.indirect_vreg.gather @!p0 [hbm4b:s6+s21], $0x80, v2, vm1, $0xb8;
	[tilespmem:$0x10200] =	vst v63  }
0x12f: {  	s13 =	simm.s32 @!p0 $0x9A00  }
0x130: {  	[tilespmem:s13], [sflag:$0x3] =	stream.indirect_vreg.gather @!p0 [hbm4b:s7+s21], $0x80, v2, vm1, $0xb8;
	[tilespmem:$0x10200] =	vst v63  }
0x131: {  	s13 =	simm.s32 @!p0 $0xA200  }
0x132: {  	[tilespmem:s13], [sflag:$0x3] =	stream.indirect_vreg.gather @!p0 [hbm4b:s8+s21], $0x80, v2, vm1, $0xb8;
	[tilespmem:$0x10200] =	vst v63  }
0x133: {  	s13 =	simm.s32 @!p0 $0xAA00  }
0x134: {  	[tilespmem:s13], [sflag:$0x3] =	stream.indirect_vreg.gather @!p0 [hbm4b:s9+s21], $0x80, v2, vm1, $0xb8;
	[tilespmem:$0x10200] =	vst v63  }
0x135: {  	s13 =	simm.s32 @!p0 $0xB200  }
0x136: {  	[tilespmem:s13], [sflag:$0x3] =	stream.indirect_vreg.gather @!p0 [hbm4b:s10+s21], $0x80, v2, vm1, $0xb8;
	[tilespmem:$0x10200] =	vst v63  }
0x137: {  	s13 =	simm.s32 @!p0 $0xBA00  }
0x138: {  	[tilespmem:s13], [sflag:$0x3] =	stream.indirect_vreg.gather @!p0 [hbm4b:s11+s21], $0x80, v2, vm1, $0xb8;
	[tilespmem:$0x10200] =	vst v63  }
0x139: {  	_ =	swait.ge [sflag:s22], $0x4000  }
0x13a: {  	[sflag:s22] =	ssyncset.done $0x0;
	s14 =	rddreg [dreg:$0x6]  }
0x13b: {  	[sflag:s22] =	ssyncadd.s32 $0xFFFFC000;
	s13 =	sadd.s32 s25, s14  }
0x13c: {  	[hbm4b:s13+s17] =	stream.strided.scatter [tilespmem:s28], [sflag:$0x8], $0x400, s19, s17, $0x38;
	[tilespmem:$0x10200] =	vst v63  }
0x13d: {  	s21 =	simm.s32 $0xC600;
	s15 =	sadd.s32 $0x40, s13  }
0x13e: {  	[hbm4b:s15+s17] =	stream.strided.scatter [tilespmem:s21], [sflag:$0x8], $0x400, s19, s17, $0x38;
	[tilespmem:$0x10200] =	vst v63  }
0x13f: {  	s21 =	sadd.s32 $0x80, s13  }
0x140: {  	[hbm4b:s21+s17] =	stream.strided.scatter [tilespmem:s29], [sflag:$0x8], $0x400, s19, s17, $0x38;
	[tilespmem:$0x10200] =	vst v63  }
0x141: {  	s15 =	sadd.s32 $0xC0, s13;
	s21 =	simm.s32 $0xCE00  }
0x142: {  	[hbm4b:s15+s17] =	stream.strided.scatter [tilespmem:s21], [sflag:$0x8], $0x400, s19, s17, $0x38;
	[tilespmem:$0x10200] =	vst v63  }
0x143: {  	s21 =	sadd.s32 $0x100, s13  }
0x144: {  	[hbm4b:s21+s17] =	stream.strided.scatter [tilespmem:s30], [sflag:$0x8], $0x400, s19, s17, $0x38;
	[tilespmem:$0x10200] =	vst v63  }
0x145: {  	s15 =	sadd.s32 $0x140, s13;
	s21 =	simm.s32 $0xD600  }
0x146: {  	[hbm4b:s15+s17] =	stream.strided.scatter [tilespmem:s21], [sflag:$0x8], $0x400, s19, s17, $0x38;
	[tilespmem:$0x10200] =	vst v63  }
0x147: {  	s21 =	sadd.s32 $0x180, s13  }
0x148: {  	[hbm4b:s21+s17] =	stream.strided.scatter [tilespmem:s31], [sflag:$0x8], $0x400, s19, s17, $0x38;
	[tilespmem:$0x10200] =	vst v63  }
0x149: {  	s15 =	sadd.s32 $0x1C0, s13;
	s21 =	simm.s32 $0xDE00  }
0x14a: {  	[hbm4b:s15+s17] =	stream.strided.scatter [tilespmem:s21], [sflag:$0x8], $0x400, s19, s17, $0x38;
	[tilespmem:$0x10200] =	vst v63  }
0x14b: {  	s21 =	sadd.s32 $0x200, s13  }
0x14c: {  	[hbm4b:s21+s17] =	stream.strided.scatter [tilespmem:s18], [sflag:$0x8], $0x400, s19, s17, $0x38;
	[tilespmem:$0x10200] =	vst v63  }
0x14d: {  	s15 =	sadd.s32 $0x240, s13;
	s21 =	simm.s32 $0xE600  }
0x14e: {  	[hbm4b:s15+s17] =	stream.strided.scatter [tilespmem:s21], [sflag:$0x8], $0x400, s19, s17, $0x38;
	[tilespmem:$0x10200] =	vst v63  }
0x14f: {  	s21 =	sadd.s32 $0x280, s13  }
0x150: {  	[hbm4b:s21+s17] =	stream.strided.scatter [tilespmem:s0], [sflag:$0x8], $0x400, s19, s17, $0x38;
	[tilespmem:$0x10200] =	vst v63  }
0x151: {  	s15 =	sadd.s32 $0x2C0, s13;
	s21 =	simm.s32 $0xEE00  }
0x152: {  	[hbm4b:s15+s17] =	stream.strided.scatter [tilespmem:s21], [sflag:$0x8], $0x400, s19, s17, $0x38;
	[tilespmem:$0x10200] =	vst v63  }
0x153: {  	s21 =	sadd.s32 $0x300, s13  }
0x154: {  	[hbm4b:s21+s17] =	stream.strided.scatter [tilespmem:s1], [sflag:$0x8], $0x400, s19, s17, $0x38;
	[tilespmem:$0x10200] =	vst v63  }
0x155: {  	s15 =	sadd.s32 $0x340, s13;
	s21 =	simm.s32 $0xF600  }
0x156: {  	[hbm4b:s15+s17] =	stream.strided.scatter [tilespmem:s21], [sflag:$0x8], $0x400, s19, s17, $0x38;
	[tilespmem:$0x10200] =	vst v63  }
.Ltmp2:
0x157: {  	_ = 	snop;
	(pc) =	sbr.rel @p0 .LBB2_4-.Ltmp2, $4  }
0x158: {  	s15 =	sadd.s32 $0x380, s13  }
0x159: {  	[hbm4b:s15+s17] =	stream.strided.scatter [tilespmem:s4], [sflag:$0x8], $0x400, s19, s17, $0x38;
	[tilespmem:$0x10200] =	vst v63  }
0x15a: {  	s13 =	sadd.s32 $0x3C0, s13;
	s21 =	simm.s32 $0xFE00  }
0x15b: {  	[hbm4b:s13+s17] =	stream.strided.scatter [tilespmem:s21], [sflag:$0x8], $0x400, s19, s17, $0x38;
	[tilespmem:$0x10200] =	vst v63  }
0x15c: {  	_ =	swait.ge [sflag:s23], $0x4000  }
0x15d: {  	[sflag:s23] =	ssyncset.done $0x0  }
0x15e: {  	[sflag:s23] =	ssyncadd.s32 $0xFFFFC000  }
0x15f: {  	v2 =	vld.msk [tilespmem:s20+$0x0], $0xff;
	_ =	sdelay $0x4  }
0x160: {  	v3 =	vshll.u32 v2, $0x4  }
0x161: {  	v2 =	vand.u32 $0x7, v2;
	v3 =	vand.u32 $0xFFFFFF80, v3  }
0x162: {  	v2 =	vor.u32 v2, v3  }
0x163: {  	v2 =	vperm.xlane v2, v0;
	_ =	sdelay $0x1  }
0x164: {  	v2 =	vadd.s32 v1, v2;
	_ =	sdelay $0x4  }
0x165: {  	[tilespmem:s28], [sflag:$0x4] =	stream.indirect_vreg.gather [hbm4b:s2+s3], $0x80, v2, vm0, $0xb8;
	[tilespmem:$0x10200] =	vst v63  }
0x166: {  	_ = 	snop  }
0x167: {  	[tilespmem:s29], [sflag:$0x4] =	stream.indirect_vreg.gather [hbm4b:s5+s3], $0x80, v2, vm0, $0xb8;
	[tilespmem:$0x10200] =	vst v63  }
0x168: {  	_ = 	snop  }
0x169: {  	[tilespmem:s30], [sflag:$0x4] =	stream.indirect_vreg.gather [hbm4b:s6+s3], $0x80, v2, vm0, $0xb8;
	[tilespmem:$0x10200] =	vst v63  }
0x16a: {  	_ = 	snop  }
0x16b: {  	[tilespmem:s31], [sflag:$0x4] =	stream.indirect_vreg.gather [hbm4b:s7+s3], $0x80, v2, vm0, $0xb8;
	[tilespmem:$0x10200] =	vst v63  }
0x16c: {  	_ = 	snop  }
0x16d: {  	[tilespmem:s18], [sflag:$0x4] =	stream.indirect_vreg.gather [hbm4b:s8+s3], $0x80, v2, vm0, $0xb8;
	[tilespmem:$0x10200] =	vst v63  }
0x16e: {  	_ = 	snop  }
0x16f: {  	[tilespmem:s0], [sflag:$0x4] =	stream.indirect_vreg.gather [hbm4b:s9+s3], $0x80, v2, vm0, $0xb8;
	[tilespmem:$0x10200] =	vst v63  }
.Ltmp3:
0x170: {  	_ = 	snop;
	(pc) =	sbr.rel .LBB2_2-.Ltmp3, $4  }
0x171: {  	_ = 	snop  }
0x172: {  	[tilespmem:s1], [sflag:$0x4] =	stream.indirect_vreg.gather [hbm4b:s10+s3], $0x80, v2, vm0, $0xb8;
	[tilespmem:$0x10200] =	vst v63  }
0x173: {  	s25 =	sadd.s32 $0x8000, s25;
	s20 =	sadd.s32 $0x20, s20  }
0x174: {  	[tilespmem:s4], [sflag:$0x4] =	stream.indirect_vreg.gather [hbm4b:s11+s3], $0x80, v2, vm0, $0xb8;
	[tilespmem:$0x10200] =	vst v63  }
.LBB2_5:
0x175: {  	_ =	sfence.sel $0x180000  }
0x176: {  	[bflag:$0x0] =	sbarrier.arrive $0xFFFF  }
0x177: {  	_ =	strace $0x90000047  }
0x178: {  	s0 =	stileid.u32;
	[bflag:$0x2] =	sbarrier.arrive $0xFFFF  }
0x179: {  	p0 =	sne.s32 s0, $0x0;
	s0 =	rddreg [dreg:$0x3]  }
0x17a: {  	s0 =	sadd.s32 @!p0 $0x100000, s0  }
0x17b: {  	[sflag:s0] =	ssyncadd.tile.s32 @!p0 $0x1;
	_ =	shalt  }
.Lfunc_end2:
_tile_overlayer_lowered:
.L_overlay_start_2:
0x17c: {  	(tag) =	ssettag $0x2  }
0x17d: {  	s0 =	rddreg [dreg:$0x0];
	s2 =	stileid.u32  }
0x17e: {  	s1 =	rddreg [dreg:$0x1];
	p0 =	sne.s32 s2, $0x0  }
0x17f: {  	s3 =	rddreg [dreg:$0x2];
	[bflag:$0x3] =	sbarrier.arrive $0xFFFF;
	s2 =	simm.s32 @!p0 $0x1C09  }
0x180: {  	[timem:s3], [sflag:s2] =	dma.local @!p0 [hbm:s0], s1  }
0x181: {  	s0 =	simm.s32 @!p0 $0x9  }
0x182: {  	_ =	swait.ge @!p0 [sflag:s0], s1  }
0x183: {  	s1 =	ssub.s32 @!p0 $0x0, s1;
	[sflag:s0] =	ssyncset.done @!p0 $0x0  }
0x184: {  	[sflag:s0] =	ssyncadd.s32 @!p0 s1  }
0x185: {  	[bflag:$0x3] =	sbarrier.arrive $0xFFFF  }
0x186: {  	_ =	shalt  }

</sc_bundles>
